<compile_context>
chip_gen: v7x
topology: tpu7x:2x2x1
jax: 0.10.2.dev20260603
libtpu: 0.0.44.dev20260713+nightly
codegen_flags: <defaults>
</compile_context>

<pallas_src>
import jax
import jax.numpy as jnp
from jax import lax
from jax.experimental import pallas as pl
from jax.experimental.pallas import tpu as pltpu
from jax.experimental.pallas import tpu_sc as plsc

_N = 10000
_E = 160000
_D = 256
_HALF = 128
_TILES = 16
_K = 128
_NB = 80
_EPAD = _TILES * _NB * _K
_NPAD = 10240
_RPT = _NPAD // _TILES
_RCH = 80
_DPT = _NPAD // _TILES


def _sc_aggregate(x_lo, x_hi, src3, dst3):
    mesh = plsc.VectorSubcoreMesh(core_axis_name="c", subcore_axis_name="s")

    def body(x0, x1, s4, d4, agg0, agg1, deg,
             agg_sp, deg_sp, rows0, rows1, si0, si1, di0, di1, ones_v,
             dbuf, sem0, sem1, isem0, isem1):
        c = lax.axis_index("c")
        s = lax.axis_index("s")
        ones16 = jnp.full((16,), 1.0, jnp.float32)

        def run(xc, aggc, do_deg):
            nch = _RPT // _RCH
            if do_deg:
                for i in range(8):
                    ones_v[pl.ds(i * 16, 16)] = ones16
                for i in range(_DPT // 16):
                    dbuf[pl.ds(i * 16, 16)] = ones16
                pltpu.sync_copy(dbuf, deg_sp.at[pl.ds(s * _DPT, _DPT)])

            stage = rows0.at[pl.ds(0, _RCH)]

            def init_chunk(j, carry):
                base = s * _RPT + j * _RCH
                pltpu.sync_copy(xc.at[pl.ds(base, _RCH)], stage)
                pltpu.sync_copy(stage, agg_sp.at[pl.ds(base, _RCH)])
                return carry

            lax.fori_loop(0, nch, init_chunk, 0)
            plsc.subcore_barrier()

            def fetch_idx(jj, si, di, isem):
                pltpu.async_copy(s4.at[s, jj, 0], si, isem)
                pltpu.async_copy(d4.at[s, jj, 0], di, isem)

            def wait_idx(jj, si, di, isem):
                pltpu.make_async_copy(s4.at[s, jj, 0], si, isem).wait()
                pltpu.make_async_copy(d4.at[s, jj, 0], di, isem).wait()

            pltpu.sync_copy(s4.at[s, 0, 0], si0)
            pltpu.sync_copy(d4.at[s, 0, 0], di0)
            pltpu.async_copy(xc.at[si0], rows0, sem0)
            fetch_idx(1, si1, di1, isem1)

            def step(h, carry):
                j0 = 2 * h
                j1 = j0 + 1
                wait_idx(j1, si1, di1, isem1)
                pltpu.async_copy(xc.at[si1], rows1, sem1)
                pltpu.make_async_copy(xc.at[si0], rows0, sem0).wait()
                pltpu.sync_copy(rows0, agg_sp.at[di0], add=True)
                if do_deg:
                    pltpu.sync_copy(ones_v, deg_sp.at[di0], add=True)

                @pl.when(h + 1 < _NB // 2)
                def _():
                    fetch_idx(j0 + 2, si0, di0, isem0)

                pltpu.make_async_copy(xc.at[si1], rows1, sem1).wait()
                pltpu.sync_copy(rows1, agg_sp.at[di1], add=True)
                if do_deg:
                    pltpu.sync_copy(ones_v, deg_sp.at[di1], add=True)

                @pl.when(h + 1 < _NB // 2)
                def _():
                    fetch_idx(j1 + 2, si1, di1, isem1)
                    wait_idx(j0 + 2, si0, di0, isem0)
                    pltpu.async_copy(xc.at[si0], rows0, sem0)

                return carry

            lax.fori_loop(0, _NB // 2, step, 0)

            plsc.subcore_barrier()

            def out_chunk(j, carry):
                base = s * _RPT + j * _RCH
                pltpu.sync_copy(agg_sp.at[pl.ds(base, _RCH)], stage)
                pltpu.sync_copy(stage, aggc.at[pl.ds(base, _RCH)])
                return carry

            lax.fori_loop(0, nch, out_chunk, 0)
            if do_deg:
                pltpu.sync_copy(deg_sp.at[pl.ds(s * _DPT, _DPT)], dbuf)
                pltpu.sync_copy(dbuf, deg.at[pl.ds(s * _DPT, _DPT)])

        @pl.when(c == 0)
        def _():
            run(x0, agg0, True)

        @pl.when(c == 1)
        def _():
            run(x1, agg1, False)

    f = pl.kernel(
        body,
        out_type=[
            jax.ShapeDtypeStruct((_NPAD, _HALF), jnp.float32),
            jax.ShapeDtypeStruct((_NPAD, _HALF), jnp.float32),
            jax.ShapeDtypeStruct((_NPAD,), jnp.float32),
        ],
        mesh=mesh,
        scratch_types=[
            pltpu.VMEM_SHARED((_NPAD, _HALF), jnp.float32),
            pltpu.VMEM_SHARED((_NPAD,), jnp.float32),
            pltpu.VMEM((_K, _HALF), jnp.float32),
            pltpu.VMEM((_K, _HALF), jnp.float32),
            pltpu.VMEM((128,), jnp.int32),
            pltpu.VMEM((128,), jnp.int32),
            pltpu.VMEM((128,), jnp.int32),
            pltpu.VMEM((128,), jnp.int32),
            pltpu.VMEM((_K,), jnp.float32),
            pltpu.VMEM((_DPT,), jnp.float32),
            pltpu.SemaphoreType.DMA,
            pltpu.SemaphoreType.DMA,
            pltpu.SemaphoreType.DMA,
            pltpu.SemaphoreType.DMA,
        ],
    )
    return f(x_lo, x_hi, src3, dst3)


_BM = 2000


def _tc_body(x_ref, a0_ref, a1_ref, deg_ref, ws_ref, wn0_ref, wn1_ref,
             b_ref, o_ref):
    r = 1.0 / deg_ref[...]
    acc = jnp.dot(x_ref[...], ws_ref[...], preferred_element_type=jnp.float32)
    acc += jnp.dot(a0_ref[...] * r, wn0_ref[...],
                   preferred_element_type=jnp.float32)
    acc += jnp.dot(a1_ref[...] * r, wn1_ref[...],
                   preferred_element_type=jnp.float32)
    o_ref[...] = acc + b_ref[...]


def _tc_combine(x, a0, a1, deg, w_self, w_neigh, b):
    wn0 = w_neigh[:_HALF]
    wn1 = w_neigh[_HALF:]
    deg2 = deg[:_N].reshape(_N, 1)
    b2 = b.reshape(1, _D)
    return pl.pallas_call(
        _tc_body,
        grid=(_N // _BM,),
        in_specs=[
            pl.BlockSpec((_BM, _D), lambda i: (i, 0)),
            pl.BlockSpec((_BM, _HALF), lambda i: (i, 0)),
            pl.BlockSpec((_BM, _HALF), lambda i: (i, 0)),
            pl.BlockSpec((_BM, 1), lambda i: (i, 0)),
            pl.BlockSpec((_D, _D), lambda i: (0, 0)),
            pl.BlockSpec((_HALF, _D), lambda i: (0, 0)),
            pl.BlockSpec((_HALF, _D), lambda i: (0, 0)),
            pl.BlockSpec((1, _D), lambda i: (0, 0)),
        ],
        out_specs=pl.BlockSpec((_BM, _D), lambda i: (i, 0)),
        out_shape=jax.ShapeDtypeStruct((_N, _D), jnp.float32),
    )(x, a0, a1, deg2, w_self, wn0, wn1, b2)


def kernel(in_feat, edge_index, W_self, W_neigh, b):
    xp = jnp.pad(in_feat, ((0, _NPAD - _N), (0, 0)))
    x_lo = xp[:, :_HALF]
    x_hi = xp[:, _HALF:]
    pad = _N + (jnp.arange(_EPAD - _E, dtype=jnp.int32) % (_NPAD - _N))
    src4 = jnp.concatenate(
        [edge_index[0], jnp.zeros((_EPAD - _E,), jnp.int32)]
    ).reshape(_TILES, _NB, 1, _K)
    dst4 = jnp.concatenate([edge_index[1], pad]).reshape(_TILES, _NB, 1, _K)
    agg_lo, agg_hi, deg = _sc_aggregate(x_lo, x_hi, src4, dst4)
    return _tc_combine(in_feat, agg_lo, agg_hi, deg, W_self, W_neigh, b)

# --- scband reference (transcript-rebuilt; emitter-appended) ---
"""Pipeline reference for scband-graph-sage-21251498181090 (READ-ONLY COPY).

The authoritative reference and input builder live on the scoring server;
editing this copy changes nothing except your own understanding.
"""

import jax, jax.numpy as jnp
import numpy as np

N = 10000
E = 160000
D = 256
H = 256


def setup_inputs(seed: int = 0) -> dict:
    key = jax.random.key(seed)
    k1, k2, k3, k4 = jax.random.split(key, 4)
    x = jax.random.normal(k1, (N, D), dtype=jnp.float32)
    edge_index = jax.random.randint(k2, (2, E), 0, N, dtype=jnp.int32)
    W_self = jax.random.normal(k3, (D, H), dtype=jnp.float32) / np.sqrt(D)
    W_neigh = jax.random.normal(k4, (D, H), dtype=jnp.float32) / np.sqrt(D)
    b = jnp.zeros((H,), dtype=jnp.float32)
    return {"in_feat": x, "edge_index": edge_index, "W_self": W_self, "W_neigh": W_neigh, "b": b}


def reference(in_feat, edge_index, W_self, W_neigh, b):
    # g = dgl.add_self_loop(g): append self-loop edges
    self_idx = jnp.arange(N, dtype=edge_index.dtype)
    src = jnp.concatenate([edge_index[0], self_idx])
    dst = jnp.concatenate([edge_index[1], self_idx])
    # SAGEConv 'mean': h_neigh = mean over in-edges of source features
    msg = jnp.take(in_feat, src, axis=0)
    agg = jax.ops.segment_sum(msg, dst, num_segments=N)
    deg = jax.ops.segment_sum(jnp.ones_like(dst, dtype=jnp.float32), dst, num_segments=N)
    h_neigh = agg / jnp.clip(deg, 1.0)[:, None]
    # rst = fc_self(h_self) + fc_neigh(h_neigh) + bias
    out = in_feat @ W_self + h_neigh @ W_neigh + b
    return out

if __name__ == "__main__":
    import jax
    _d = setup_inputs()
    print(jax.jit(kernel)(*tuple(_d.values())))

</pallas_src>

<mosaic_0001>
#map = affine_map<(d0, d1) -> (0, 0)>
#map1 = affine_map<(d0, d1) -> (0, 0, 0, 0)>
#map2 = affine_map<(d0, d1) -> (0)>
module attributes {stable_mosaic.version = 14 : i64} {
  func.func @body(%arg0: i32, %arg1: i32, %arg2: memref<10240x128xf32, #tpu.memory_space<hbm>>, %arg3: memref<10240x128xf32, #tpu.memory_space<hbm>>, %arg4: memref<16x80x1x128xi32, #tpu.memory_space<hbm>>, %arg5: memref<16x80x1x128xi32, #tpu.memory_space<hbm>>, %arg6: memref<10240x128xf32, #tpu.memory_space<hbm>>, %arg7: memref<10240x128xf32, #tpu.memory_space<hbm>>, %arg8: memref<10240xf32, #tpu.memory_space<hbm>>, %arg9: memref<10240x128xf32, #tpu.memory_space<vmem_shared>>, %arg10: memref<10240xf32, #tpu.memory_space<vmem_shared>>, %arg11: memref<128x128xf32, #tpu.memory_space<vmem>>, %arg12: memref<128x128xf32, #tpu.memory_space<vmem>>, %arg13: memref<128xi32, #tpu.memory_space<vmem>>, %arg14: memref<128xi32, #tpu.memory_space<vmem>>, %arg15: memref<128xi32, #tpu.memory_space<vmem>>, %arg16: memref<128xi32, #tpu.memory_space<vmem>>, %arg17: memref<128xf32, #tpu.memory_space<vmem>>, %arg18: memref<640xf32, #tpu.memory_space<vmem>>, %arg19: memref<!tpu.dma_semaphore, #tpu.memory_space<semaphore_mem>>, %arg20: memref<!tpu.dma_semaphore, #tpu.memory_space<semaphore_mem>>, %arg21: memref<!tpu.dma_semaphore, #tpu.memory_space<semaphore_mem>>, %arg22: memref<!tpu.dma_semaphore, #tpu.memory_space<semaphore_mem>>) attributes {dimension_semantics = [#tpu.dimension_semantics<core_parallel>, #tpu.dimension_semantics<subcore_parallel>], iteration_bounds = array<i64: 2, 16>, scalar_prefetch = 0 : i64, scratch_operands = 14 : i64, tpu.core_type = #tpu.core_type<sc_vector_subcore>, window_params = [{transform_indices = #map}, {transform_indices = #map}, {transform_indices = #map1}, {transform_indices = #map1}, {transform_indices = #map}, {transform_indices = #map}, {transform_indices = #map2}]} {
    %broadcast_in_dim3A = arith.constant 1.000000e+00 : f32
    %broadcast_in_dim3A_0 = vector.broadcast %broadcast_in_dim3A : f32 to vector<16xf32>
    %eq3A = arith.constant 0 : i32
    %eq3A_1 = arith.cmpi eq, %arg0, %eq3A : i32
    %convert_element_type3A = arith.extui %eq3A_1 : i1 to i32
    %cond3A = arith.constant 0 : i32
    %cond3A_2 = arith.cmpi ne, %convert_element_type3A, %cond3A : i32
    scf.if %cond3A_2 {
      %swap3A = arith.constant 0 : index
      %swap3A_8 = tpu.vector_load %arg17[%swap3A] {strides = array<i32>} : memref<128xf32, #tpu.memory_space<vmem>>, vector<16xf32>,
      %swap3A_9 = vector.shape_cast %swap3A_8 : vector<16xf32> to vector<16xf32>
      %swap3A_10 = vector.shape_cast %broadcast_in_dim3A_0 : vector<16xf32> to vector<16xf32>
      tpu.vector_store %arg17[%swap3A], %swap3A_10 {strides = array<i32>} : memref<128xf32, #tpu.memory_space<vmem>>, vector<16xf32>,
      %swap3A_11 = arith.constant 16 : index
      %swap3A_12 = tpu.vector_load %arg17[%swap3A_11] {strides = array<i32>} : memref<128xf32, #tpu.memory_space<vmem>>, vector<16xf32>,
      %swap3A_13 = vector.shape_cast %swap3A_12 : vector<16xf32> to vector<16xf32>
      %swap3A_14 = vector.shape_cast %broadcast_in_dim3A_0 : vector<16xf32> to vector<16xf32>
      tpu.vector_store %arg17[%swap3A_11], %swap3A_14 {strides = array<i32>} : memref<128xf32, #tpu.memory_space<vmem>>, vector<16xf32>,
      %swap3A_15 = arith.constant 32 : index
      %swap3A_16 = tpu.vector_load %arg17[%swap3A_15] {strides = array<i32>} : memref<128xf32, #tpu.memory_space<vmem>>, vector<16xf32>,
      %swap3A_17 = vector.shape_cast %swap3A_16 : vector<16xf32> to vector<16xf32>
      %swap3A_18 = vector.shape_cast %broadcast_in_dim3A_0 : vector<16xf32> to vector<16xf32>
      tpu.vector_store %arg17[%swap3A_15], %swap3A_18 {strides = array<i32>} : memref<128xf32, #tpu.memory_space<vmem>>, vector<16xf32>,
      %swap3A_19 = arith.constant 48 : index
      %swap3A_20 = tpu.vector_load %arg17[%swap3A_19] {strides = array<i32>} : memref<128xf32, #tpu.memory_space<vmem>>, vector<16xf32>,
      %swap3A_21 = vector.shape_cast %swap3A_20 : vector<16xf32> to vector<16xf32>
      %swap3A_22 = vector.shape_cast %broadcast_in_dim3A_0 : vector<16xf32> to vector<16xf32>
      tpu.vector_store %arg17[%swap3A_19], %swap3A_22 {strides = array<i32>} : memref<128xf32, #tpu.memory_space<vmem>>, vector<16xf32>,
      %swap3A_23 = arith.constant 64 : index
      %swap3A_24 = tpu.vector_load %arg17[%swap3A_23] {strides = array<i32>} : memref<128xf32, #tpu.memory_space<vmem>>, vector<16xf32>,
      %swap3A_25 = vector.shape_cast %swap3A_24 : vector<16xf32> to vector<16xf32>
      %swap3A_26 = vector.shape_cast %broadcast_in_dim3A_0 : vector<16xf32> to vector<16xf32>
      tpu.vector_store %arg17[%swap3A_23], %swap3A_26 {strides = array<i32>} : memref<128xf32, #tpu.memory_space<vmem>>, vector<16xf32>,
      %swap3A_27 = arith.constant 80 : index
      %swap3A_28 = tpu.vector_load %arg17[%swap3A_27] {strides = array<i32>} : memref<128xf32, #tpu.memory_space<vmem>>, vector<16xf32>,
      %swap3A_29 = vector.shape_cast %swap3A_28 : vector<16xf32> to vector<16xf32>
      %swap3A_30 = vector.shape_cast %broadcast_in_dim3A_0 : vector<16xf32> to vector<16xf32>
      tpu.vector_store %arg17[%swap3A_27], %swap3A_30 {strides = array<i32>} : memref<128xf32, #tpu.memory_space<vmem>>, vector<16xf32>,
      %swap3A_31 = arith.constant 96 : index
      %swap3A_32 = tpu.vector_load %arg17[%swap3A_31] {strides = array<i32>} : memref<128xf32, #tpu.memory_space<vmem>>, vector<16xf32>,
      %swap3A_33 = vector.shape_cast %swap3A_32 : vector<16xf32> to vector<16xf32>
      %swap3A_34 = vector.shape_cast %broadcast_in_dim3A_0 : vector<16xf32> to vector<16xf32>
      tpu.vector_store %arg17[%swap3A_31], %swap3A_34 {strides = array<i32>} : memref<128xf32, #tpu.memory_space<vmem>>, vector<16xf32>,
      %swap3A_35 = arith.constant 112 : index
      %swap3A_36 = tpu.vector_load %arg17[%swap3A_35] {strides = array<i32>} : memref<128xf32, #tpu.memory_space<vmem>>, vector<16xf32>,
      %swap3A_37 = vector.shape_cast %swap3A_36 : vector<16xf32> to vector<16xf32>
      %swap3A_38 = vector.shape_cast %broadcast_in_dim3A_0 : vector<16xf32> to vector<16xf32>
      tpu.vector_store %arg17[%swap3A_35], %swap3A_38 {strides = array<i32>} : memref<128xf32, #tpu.memory_space<vmem>>, vector<16xf32>,
      %swap3A_39 = arith.constant 0 : index
      %swap3A_40 = tpu.vector_load %arg18[%swap3A_39] {strides = array<i32>} : memref<640xf32, #tpu.memory_space<vmem>>, vector<16xf32>,
      %swap3A_41 = vector.shape_cast %swap3A_40 : vector<16xf32> to vector<16xf32>
      %swap3A_42 = vector.shape_cast %broadcast_in_dim3A_0 : vector<16xf32> to vector<16xf32>
      tpu.vector_store %arg18[%swap3A_39], %swap3A_42 {strides = array<i32>} : memref<640xf32, #tpu.memory_space<vmem>>, vector<16xf32>,
      %swap3A_43 = arith.constant 16 : index
      %swap3A_44 = tpu.vector_load %arg18[%swap3A_43] {strides = array<i32>} : memref<640xf32, #tpu.memory_space<vmem>>, vector<16xf32>,
      %swap3A_45 = vector.shape_cast %swap3A_44 : vector<16xf32> to vector<16xf32>
      %swap3A_46 = vector.shape_cast %broadcast_in_dim3A_0 : vector<16xf32> to vector<16xf32>
      tpu.vector_store %arg18[%swap3A_43], %swap3A_46 {strides = array<i32>} : memref<640xf32, #tpu.memory_space<vmem>>, vector<16xf32>,
      %swap3A_47 = arith.constant 32 : index
      %swap3A_48 = tpu.vector_load %arg18[%swap3A_47] {strides = array<i32>} : memref<640xf32, #tpu.memory_space<vmem>>, vector<16xf32>,
      %swap3A_49 = vector.shape_cast %swap3A_48 : vector<16xf32> to vector<16xf32>
      %swap3A_50 = vector.shape_cast %broadcast_in_dim3A_0 : vector<16xf32> to vector<16xf32>
      tpu.vector_store %arg18[%swap3A_47], %swap3A_50 {strides = array<i32>} : memref<640xf32, #tpu.memory_space<vmem>>, vector<16xf32>,
      %swap3A_51 = arith.constant 48 : index
      %swap3A_52 = tpu.vector_load %arg18[%swap3A_51] {strides = array<i32>} : memref<640xf32, #tpu.memory_space<vmem>>, vector<16xf32>,
      %swap3A_53 = vector.shape_cast %swap3A_52 : vector<16xf32> to vector<16xf32>
      %swap3A_54 = vector.shape_cast %broadcast_in_dim3A_0 : vector<16xf32> to vector<16xf32>
      tpu.vector_store %arg18[%swap3A_51], %swap3A_54 {strides = array<i32>} : memref<640xf32, #tpu.memory_space<vmem>>, vector<16xf32>,
      %swap3A_55 = arith.constant 64 : index
      %swap3A_56 = tpu.vector_load %arg18[%swap3A_55] {strides = array<i32>} : memref<640xf32, #tpu.memory_space<vmem>>, vector<16xf32>,
      %swap3A_57 = vector.shape_cast %swap3A_56 : vector<16xf32> to vector<16xf32>
      %swap3A_58 = vector.shape_cast %broadcast_in_dim3A_0 : vector<16xf32> to vector<16xf32>
      tpu.vector_store %arg18[%swap3A_55], %swap3A_58 {strides = array<i32>} : memref<640xf32, #tpu.memory_space<vmem>>, vector<16xf32>,
      %swap3A_59 = arith.constant 80 : index
      %swap3A_60 = tpu.vector_load %arg18[%swap3A_59] {strides = array<i32>} : memref<640xf32, #tpu.memory_space<vmem>>, vector<16xf32>,
      %swap3A_61 = vector.shape_cast %swap3A_60 : vector<16xf32> to vector<16xf32>
      %swap3A_62 = vector.shape_cast %broadcast_in_dim3A_0 : vector<16xf32> to vector<16xf32>
      tpu.vector_store %arg18[%swap3A_59], %swap3A_62 {strides = array<i32>} : memref<640xf32, #tpu.memory_space<vmem>>, vector<16xf32>,
      %swap3A_63 = arith.constant 96 : index
      %swap3A_64 = tpu.vector_load %arg18[%swap3A_63] {strides = array<i32>} : memref<640xf32, #tpu.memory_space<vmem>>, vector<16xf32>,
      %swap3A_65 = vector.shape_cast %swap3A_64 : vector<16xf32> to vector<16xf32>
      %swap3A_66 = vector.shape_cast %broadcast_in_dim3A_0 : vector<16xf32> to vector<16xf32>
      tpu.vector_store %arg18[%swap3A_63], %swap3A_66 {strides = array<i32>} : memref<640xf32, #tpu.memory_space<vmem>>, vector<16xf32>,
      %swap3A_67 = arith.constant 112 : index
      %swap3A_68 = tpu.vector_load %arg18[%swap3A_67] {strides = array<i32>} : memref<640xf32, #tpu.memory_space<vmem>>, vector<16xf32>,
      %swap3A_69 = vector.shape_cast %swap3A_68 : vector<16xf32> to vector<16xf32>
      %swap3A_70 = vector.shape_cast %broadcast_in_dim3A_0 : vector<16xf32> to vector<16xf32>
      tpu.vector_store %arg18[%swap3A_67], %swap3A_70 {strides = array<i32>} : memref<640xf32, #tpu.memory_space<vmem>>, vector<16xf32>,
      %swap3A_71 = arith.constant 128 : index
      %swap3A_72 = tpu.vector_load %arg18[%swap3A_71] {strides = array<i32>} : memref<640xf32, #tpu.memory_space<vmem>>, vector<16xf32>,
      %swap3A_73 = vector.shape_cast %swap3A_72 : vector<16xf32> to vector<16xf32>
      %swap3A_74 = vector.shape_cast %broadcast_in_dim3A_0 : vector<16xf32> to vector<16xf32>
      tpu.vector_store %arg18[%swap3A_71], %swap3A_74 {strides = array<i32>} : memref<640xf32, #tpu.memory_space<vmem>>, vector<16xf32>,
      %swap3A_75 = arith.constant 144 : index
      %swap3A_76 = tpu.vector_load %arg18[%swap3A_75] {strides = array<i32>} : memref<640xf32, #tpu.memory_space<vmem>>, vector<16xf32>,
      %swap3A_77 = vector.shape_cast %swap3A_76 : vector<16xf32> to vector<16xf32>
      %swap3A_78 = vector.shape_cast %broadcast_in_dim3A_0 : vector<16xf32> to vector<16xf32>
      tpu.vector_store %arg18[%swap3A_75], %swap3A_78 {strides = array<i32>} : memref<640xf32, #tpu.memory_space<vmem>>, vector<16xf32>,
      %swap3A_79 = arith.constant 160 : index
      %swap3A_80 = tpu.vector_load %arg18[%swap3A_79] {strides = array<i32>} : memref<640xf32, #tpu.memory_space<vmem>>, vector<16xf32>,
      %swap3A_81 = vector.shape_cast %swap3A_80 : vector<16xf32> to vector<16xf32>
      %swap3A_82 = vector.shape_cast %broadcast_in_dim3A_0 : vector<16xf32> to vector<16xf32>
      tpu.vector_store %arg18[%swap3A_79], %swap3A_82 {strides = array<i32>} : memref<640xf32, #tpu.memory_space<vmem>>, vector<16xf32>,
      %swap3A_83 = arith.constant 176 : index
      %swap3A_84 = tpu.vector_load %arg18[%swap3A_83] {strides = array<i32>} : memref<640xf32, #tpu.memory_space<vmem>>, vector<16xf32>,
      %swap3A_85 = vector.shape_cast %swap3A_84 : vector<16xf32> to vector<16xf32>
      %swap3A_86 = vector.shape_cast %broadcast_in_dim3A_0 : vector<16xf32> to vector<16xf32>
      tpu.vector_store %arg18[%swap3A_83], %swap3A_86 {strides = array<i32>} : memref<640xf32, #tpu.memory_space<vmem>>, vector<16xf32>,
      %swap3A_87 = arith.constant 192 : index
      %swap3A_88 = tpu.vector_load %arg18[%swap3A_87] {strides = array<i32>} : memref<640xf32, #tpu.memory_space<vmem>>, vector<16xf32>,
      %swap3A_89 = vector.shape_cast %swap3A_88 : vector<16xf32> to vector<16xf32>
      %swap3A_90 = vector.shape_cast %broadcast_in_dim3A_0 : vector<16xf32> to vector<16xf32>
      tpu.vector_store %arg18[%swap3A_87], %swap3A_90 {strides = array<i32>} : memref<640xf32, #tpu.memory_space<vmem>>, vector<16xf32>,
      %swap3A_91 = arith.constant 208 : index
      %swap3A_92 = tpu.vector_load %arg18[%swap3A_91] {strides = array<i32>} : memref<640xf32, #tpu.memory_space<vmem>>, vector<16xf32>,
      %swap3A_93 = vector.shape_cast %swap3A_92 : vector<16xf32> to vector<16xf32>
      %swap3A_94 = vector.shape_cast %broadcast_in_dim3A_0 : vector<16xf32> to vector<16xf32>
      tpu.vector_store %arg18[%swap3A_91], %swap3A_94 {strides = array<i32>} : memref<640xf32, #tpu.memory_space<vmem>>, vector<16xf32>,
      %swap3A_95 = arith.constant 224 : index
      %swap3A_96 = tpu.vector_load %arg18[%swap3A_95] {strides = array<i32>} : memref<640xf32, #tpu.memory_space<vmem>>, vector<16xf32>,
      %swap3A_97 = vector.shape_cast %swap3A_96 : vector<16xf32> to vector<16xf32>
      %swap3A_98 = vector.shape_cast %broadcast_in_dim3A_0 : vector<16xf32> to vector<16xf32>
      tpu.vector_store %arg18[%swap3A_95], %swap3A_98 {strides = array<i32>} : memref<640xf32, #tpu.memory_space<vmem>>, vector<16xf32>,
      %swap3A_99 = arith.constant 240 : index
      %swap3A_100 = tpu.vector_load %arg18[%swap3A_99] {strides = array<i32>} : memref<640xf32, #tpu.memory_space<vmem>>, vector<16xf32>,
      %swap3A_101 = vector.shape_cast %swap3A_100 : vector<16xf32> to vector<16xf32>
      %swap3A_102 = vector.shape_cast %broadcast_in_dim3A_0 : vector<16xf32> to vector<16xf32>
      tpu.vector_store %arg18[%swap3A_99], %swap3A_102 {strides = array<i32>} : memref<640xf32, #tpu.memory_space<vmem>>, vector<16xf32>,
      %swap3A_103 = arith.constant 256 : index
      %swap3A_104 = tpu.vector_load %arg18[%swap3A_103] {strides = array<i32>} : memref<640xf32, #tpu.memory_space<vmem>>, vector<16xf32>,
      %swap3A_105 = vector.shape_cast %swap3A_104 : vector<16xf32> to vector<16xf32>
      %swap3A_106 = vector.shape_cast %broadcast_in_dim3A_0 : vector<16xf32> to vector<16xf32>
      tpu.vector_store %arg18[%swap3A_103], %swap3A_106 {strides = array<i32>} : memref<640xf32, #tpu.memory_space<vmem>>, vector<16xf32>,
      %swap3A_107 = arith.constant 272 : index
      %swap3A_108 = tpu.vector_load %arg18[%swap3A_107] {strides = array<i32>} : memref<640xf32, #tpu.memory_space<vmem>>, vector<16xf32>,
      %swap3A_109 = vector.shape_cast %swap3A_108 : vector<16xf32> to vector<16xf32>
      %swap3A_110 = vector.shape_cast %broadcast_in_dim3A_0 : vector<16xf32> to vector<16xf32>
      tpu.vector_store %arg18[%swap3A_107], %swap3A_110 {strides = array<i32>} : memref<640xf32, #tpu.memory_space<vmem>>, vector<16xf32>,
      %swap3A_111 = arith.constant 288 : index
      %swap3A_112 = tpu.vector_load %arg18[%swap3A_111] {strides = array<i32>} : memref<640xf32, #tpu.memory_space<vmem>>, vector<16xf32>,
      %swap3A_113 = vector.shape_cast %swap3A_112 : vector<16xf32> to vector<16xf32>
      %swap3A_114 = vector.shape_cast %broadcast_in_dim3A_0 : vector<16xf32> to vector<16xf32>
      tpu.vector_store %arg18[%swap3A_111], %swap3A_114 {strides = array<i32>} : memref<640xf32, #tpu.memory_space<vmem>>, vector<16xf32>,
      %swap3A_115 = arith.constant 304 : index
      %swap3A_116 = tpu.vector_load %arg18[%swap3A_115] {strides = array<i32>} : memref<640xf32, #tpu.memory_space<vmem>>, vector<16xf32>,
      %swap3A_117 = vector.shape_cast %swap3A_116 : vector<16xf32> to vector<16xf32>
      %swap3A_118 = vector.shape_cast %broadcast_in_dim3A_0 : vector<16xf32> to vector<16xf32>
      tpu.vector_store %arg18[%swap3A_115], %swap3A_118 {strides = array<i32>} : memref<640xf32, #tpu.memory_space<vmem>>, vector<16xf32>,
      %swap3A_119 = arith.constant 320 : index
      %swap3A_120 = tpu.vector_load %arg18[%swap3A_119] {strides = array<i32>} : memref<640xf32, #tpu.memory_space<vmem>>, vector<16xf32>,
      %swap3A_121 = vector.shape_cast %swap3A_120 : vector<16xf32> to vector<16xf32>
      %swap3A_122 = vector.shape_cast %broadcast_in_dim3A_0 : vector<16xf32> to vector<16xf32>
      tpu.vector_store %arg18[%swap3A_119], %swap3A_122 {strides = array<i32>} : memref<640xf32, #tpu.memory_space<vmem>>, vector<16xf32>,
      %swap3A_123 = arith.constant 336 : index
      %swap3A_124 = tpu.vector_load %arg18[%swap3A_123] {strides = array<i32>} : memref<640xf32, #tpu.memory_space<vmem>>, vector<16xf32>,
      %swap3A_125 = vector.shape_cast %swap3A_124 : vector<16xf32> to vector<16xf32>
      %swap3A_126 = vector.shape_cast %broadcast_in_dim3A_0 : vector<16xf32> to vector<16xf32>
      tpu.vector_store %arg18[%swap3A_123], %swap3A_126 {strides = array<i32>} : memref<640xf32, #tpu.memory_space<vmem>>, vector<16xf32>,
      %swap3A_127 = arith.constant 352 : index
      %swap3A_128 = tpu.vector_load %arg18[%swap3A_127] {strides = array<i32>} : memref<640xf32, #tpu.memory_space<vmem>>, vector<16xf32>,
      %swap3A_129 = vector.shape_cast %swap3A_128 : vector<16xf32> to vector<16xf32>
      %swap3A_130 = vector.shape_cast %broadcast_in_dim3A_0 : vector<16xf32> to vector<16xf32>
      tpu.vector_store %arg18[%swap3A_127], %swap3A_130 {strides = array<i32>} : memref<640xf32, #tpu.memory_space<vmem>>, vector<16xf32>,
      %swap3A_131 = arith.constant 368 : index
      %swap3A_132 = tpu.vector_load %arg18[%swap3A_131] {strides = array<i32>} : memref<640xf32, #tpu.memory_space<vmem>>, vector<16xf32>,
      %swap3A_133 = vector.shape_cast %swap3A_132 : vector<16xf32> to vector<16xf32>
      %swap3A_134 = vector.shape_cast %broadcast_in_dim3A_0 : vector<16xf32> to vector<16xf32>
      tpu.vector_store %arg18[%swap3A_131], %swap3A_134 {strides = array<i32>} : memref<640xf32, #tpu.memory_space<vmem>>, vector<16xf32>,
      %swap3A_135 = arith.constant 384 : index
      %swap3A_136 = tpu.vector_load %arg18[%swap3A_135] {strides = array<i32>} : memref<640xf32, #tpu.memory_space<vmem>>, vector<16xf32>,
      %swap3A_137 = vector.shape_cast %swap3A_136 : vector<16xf32> to vector<16xf32>
      %swap3A_138 = vector.shape_cast %broadcast_in_dim3A_0 : vector<16xf32> to vector<16xf32>
      tpu.vector_store %arg18[%swap3A_135], %swap3A_138 {strides = array<i32>} : memref<640xf32, #tpu.memory_space<vmem>>, vector<16xf32>,
      %swap3A_139 = arith.constant 400 : index
      %swap3A_140 = tpu.vector_load %arg18[%swap3A_139] {strides = array<i32>} : memref<640xf32, #tpu.memory_space<vmem>>, vector<16xf32>,
      %swap3A_141 = vector.shape_cast %swap3A_140 : vector<16xf32> to vector<16xf32>
      %swap3A_142 = vector.shape_cast %broadcast_in_dim3A_0 : vector<16xf32> to vector<16xf32>
      tpu.vector_store %arg18[%swap3A_139], %swap3A_142 {strides = array<i32>} : memref<640xf32, #tpu.memory_space<vmem>>, vector<16xf32>,
      %swap3A_143 = arith.constant 416 : index
      %swap3A_144 = tpu.vector_load %arg18[%swap3A_143] {strides = array<i32>} : memref<640xf32, #tpu.memory_space<vmem>>, vector<16xf32>,
      %swap3A_145 = vector.shape_cast %swap3A_144 : vector<16xf32> to vector<16xf32>
      %swap3A_146 = vector.shape_cast %broadcast_in_dim3A_0 : vector<16xf32> to vector<16xf32>
      tpu.vector_store %arg18[%swap3A_143], %swap3A_146 {strides = array<i32>} : memref<640xf32, #tpu.memory_space<vmem>>, vector<16xf32>,
      %swap3A_147 = arith.constant 432 : index
      %swap3A_148 = tpu.vector_load %arg18[%swap3A_147] {strides = array<i32>} : memref<640xf32, #tpu.memory_space<vmem>>, vector<16xf32>,
      %swap3A_149 = vector.shape_cast %swap3A_148 : vector<16xf32> to vector<16xf32>
      %swap3A_150 = vector.shape_cast %broadcast_in_dim3A_0 : vector<16xf32> to vector<16xf32>
      tpu.vector_store %arg18[%swap3A_147], %swap3A_150 {strides = array<i32>} : memref<640xf32, #tpu.memory_space<vmem>>, vector<16xf32>,
      %swap3A_151 = arith.constant 448 : index
      %swap3A_152 = tpu.vector_load %arg18[%swap3A_151] {strides = array<i32>} : memref<640xf32, #tpu.memory_space<vmem>>, vector<16xf32>,
      %swap3A_153 = vector.shape_cast %swap3A_152 : vector<16xf32> to vector<16xf32>
      %swap3A_154 = vector.shape_cast %broadcast_in_dim3A_0 : vector<16xf32> to vector<16xf32>
      tpu.vector_store %arg18[%swap3A_151], %swap3A_154 {strides = array<i32>} : memref<640xf32, #tpu.memory_space<vmem>>, vector<16xf32>,
      %swap3A_155 = arith.constant 464 : index
      %swap3A_156 = tpu.vector_load %arg18[%swap3A_155] {strides = array<i32>} : memref<640xf32, #tpu.memory_space<vmem>>, vector<16xf32>,
      %swap3A_157 = vector.shape_cast %swap3A_156 : vector<16xf32> to vector<16xf32>
      %swap3A_158 = vector.shape_cast %broadcast_in_dim3A_0 : vector<16xf32> to vector<16xf32>
      tpu.vector_store %arg18[%swap3A_155], %swap3A_158 {strides = array<i32>} : memref<640xf32, #tpu.memory_space<vmem>>, vector<16xf32>,
      %swap3A_159 = arith.constant 480 : index
      %swap3A_160 = tpu.vector_load %arg18[%swap3A_159] {strides = array<i32>} : memref<640xf32, #tpu.memory_space<vmem>>, vector<16xf32>,
      %swap3A_161 = vector.shape_cast %swap3A_160 : vector<16xf32> to vector<16xf32>
      %swap3A_162 = vector.shape_cast %broadcast_in_dim3A_0 : vector<16xf32> to vector<16xf32>
      tpu.vector_store %arg18[%swap3A_159], %swap3A_162 {strides = array<i32>} : memref<640xf32, #tpu.memory_space<vmem>>, vector<16xf32>,
      %swap3A_163 = arith.constant 496 : index
      %swap3A_164 = tpu.vector_load %arg18[%swap3A_163] {strides = array<i32>} : memref<640xf32, #tpu.memory_space<vmem>>, vector<16xf32>,
      %swap3A_165 = vector.shape_cast %swap3A_164 : vector<16xf32> to vector<16xf32>
      %swap3A_166 = vector.shape_cast %broadcast_in_dim3A_0 : vector<16xf32> to vector<16xf32>
      tpu.vector_store %arg18[%swap3A_163], %swap3A_166 {strides = array<i32>} : memref<640xf32, #tpu.memory_space<vmem>>, vector<16xf32>,
      %swap3A_167 = arith.constant 512 : index
      %swap3A_168 = tpu.vector_load %arg18[%swap3A_167] {strides = array<i32>} : memref<640xf32, #tpu.memory_space<vmem>>, vector<16xf32>,
      %swap3A_169 = vector.shape_cast %swap3A_168 : vector<16xf32> to vector<16xf32>
      %swap3A_170 = vector.shape_cast %broadcast_in_dim3A_0 : vector<16xf32> to vector<16xf32>
      tpu.vector_store %arg18[%swap3A_167], %swap3A_170 {strides = array<i32>} : memref<640xf32, #tpu.memory_space<vmem>>, vector<16xf32>,
      %swap3A_171 = arith.constant 528 : index
      %swap3A_172 = tpu.vector_load %arg18[%swap3A_171] {strides = array<i32>} : memref<640xf32, #tpu.memory_space<vmem>>, vector<16xf32>,
      %swap3A_173 = vector.shape_cast %swap3A_172 : vector<16xf32> to vector<16xf32>
      %swap3A_174 = vector.shape_cast %broadcast_in_dim3A_0 : vector<16xf32> to vector<16xf32>
      tpu.vector_store %arg18[%swap3A_171], %swap3A_174 {strides = array<i32>} : memref<640xf32, #tpu.memory_space<vmem>>, vector<16xf32>,
      %swap3A_175 = arith.constant 544 : index
      %swap3A_176 = tpu.vector_load %arg18[%swap3A_175] {strides = array<i32>} : memref<640xf32, #tpu.memory_space<vmem>>, vector<16xf32>,
      %swap3A_177 = vector.shape_cast %swap3A_176 : vector<16xf32> to vector<16xf32>
      %swap3A_178 = vector.shape_cast %broadcast_in_dim3A_0 : vector<16xf32> to vector<16xf32>
      tpu.vector_store %arg18[%swap3A_175], %swap3A_178 {strides = array<i32>} : memref<640xf32, #tpu.memory_space<vmem>>, vector<16xf32>,
      %swap3A_179 = arith.constant 560 : index
      %swap3A_180 = tpu.vector_load %arg18[%swap3A_179] {strides = array<i32>} : memref<640xf32, #tpu.memory_space<vmem>>, vector<16xf32>,
      %swap3A_181 = vector.shape_cast %swap3A_180 : vector<16xf32> to vector<16xf32>
      %swap3A_182 = vector.shape_cast %broadcast_in_dim3A_0 : vector<16xf32> to vector<16xf32>
      tpu.vector_store %arg18[%swap3A_179], %swap3A_182 {strides = array<i32>} : memref<640xf32, #tpu.memory_space<vmem>>, vector<16xf32>,
      %swap3A_183 = arith.constant 576 : index
      %swap3A_184 = tpu.vector_load %arg18[%swap3A_183] {strides = array<i32>} : memref<640xf32, #tpu.memory_space<vmem>>, vector<16xf32>,
      %swap3A_185 = vector.shape_cast %swap3A_184 : vector<16xf32> to vector<16xf32>
      %swap3A_186 = vector.shape_cast %broadcast_in_dim3A_0 : vector<16xf32> to vector<16xf32>
      tpu.vector_store %arg18[%swap3A_183], %swap3A_186 {strides = array<i32>} : memref<640xf32, #tpu.memory_space<vmem>>, vector<16xf32>,
      %swap3A_187 = arith.constant 592 : index
      %swap3A_188 = tpu.vector_load %arg18[%swap3A_187] {strides = array<i32>} : memref<640xf32, #tpu.memory_space<vmem>>, vector<16xf32>,
      %swap3A_189 = vector.shape_cast %swap3A_188 : vector<16xf32> to vector<16xf32>
      %swap3A_190 = vector.shape_cast %broadcast_in_dim3A_0 : vector<16xf32> to vector<16xf32>
      tpu.vector_store %arg18[%swap3A_187], %swap3A_190 {strides = array<i32>} : memref<640xf32, #tpu.memory_space<vmem>>, vector<16xf32>,
      %swap3A_191 = arith.constant 608 : index
      %swap3A_192 = tpu.vector_load %arg18[%swap3A_191] {strides = array<i32>} : memref<640xf32, #tpu.memory_space<vmem>>, vector<16xf32>,
      %swap3A_193 = vector.shape_cast %swap3A_192 : vector<16xf32> to vector<16xf32>
      %swap3A_194 = vector.shape_cast %broadcast_in_dim3A_0 : vector<16xf32> to vector<16xf32>
      tpu.vector_store %arg18[%swap3A_191], %swap3A_194 {strides = array<i32>} : memref<640xf32, #tpu.memory_space<vmem>>, vector<16xf32>,
      %swap3A_195 = arith.constant 624 : index
      %swap3A_196 = tpu.vector_load %arg18[%swap3A_195] {strides = array<i32>} : memref<640xf32, #tpu.memory_space<vmem>>, vector<16xf32>,
      %swap3A_197 = vector.shape_cast %swap3A_196 : vector<16xf32> to vector<16xf32>
      %swap3A_198 = vector.shape_cast %broadcast_in_dim3A_0 : vector<16xf32> to vector<16xf32>
      tpu.vector_store %arg18[%swap3A_195], %swap3A_198 {strides = array<i32>} : memref<640xf32, #tpu.memory_space<vmem>>, vector<16xf32>,
      %mul3A = arith.constant 640 : i32
      %mul3A_199 = arith.muli %arg1, %mul3A : i32
      "tpu.region"() ({
        %run_scoped3A_243 = tpu.sem_alloc : memref<!tpu.dma_semaphore, #tpu.memory_space<semaphore_mem>>
        %dma_start3A_244 = tpu.memref_slice %arg10[%mul3A_199] : memref<10240xf32, #tpu.memory_space<vmem_shared>> -> memref<640xf32, #tpu.memory_space<vmem_shared>>
        %dma_start3A_245 = tpu.memref_slice %arg10[%mul3A_199] : memref<10240xf32, #tpu.memory_space<vmem_shared>> -> memref<640xf32, #tpu.memory_space<vmem_shared>>
        tpu.enqueue_dma source(%arg18 : memref<640xf32, #tpu.memory_space<vmem>>) target(%dma_start3A_245 : memref<640xf32, #tpu.memory_space<vmem_shared>>) target_semaphore(%run_scoped3A_243 : memref<!tpu.dma_semaphore, #tpu.memory_space<semaphore_mem>>)
        %dma_wait3A = tpu.memref_slice %arg10[%mul3A_199] : memref<10240xf32, #tpu.memory_space<vmem_shared>> -> memref<640xf32, #tpu.memory_space<vmem_shared>>
        %dma_wait3A_246 = tpu.memref_slice %arg10[%mul3A_199] : memref<10240xf32, #tpu.memory_space<vmem_shared>> -> memref<640xf32, #tpu.memory_space<vmem_shared>>
        tpu.wait_dma2 semaphore(%run_scoped3A_243 : memref<!tpu.dma_semaphore, #tpu.memory_space<semaphore_mem>>) src(%arg18 : memref<640xf32, #tpu.memory_space<vmem>>) dst(%dma_wait3A_246 : memref<640xf32, #tpu.memory_space<vmem_shared>>)
        tpu.yield
      }) : () -> ()
      %scan3A = arith.constant 0 : i32
      %scan3A_200 = arith.constant 0 : i32
      %scan3A_201 = arith.constant 8 : i32
      %scan3A_202 = arith.addi %scan3A_200, %scan3A_201 : i32
      %scan3A_203 = arith.constant 1 : i32
      scf.for %scan3A_243 = %scan3A_200 to %scan3A_202 step %scan3A_203  : i32 {
        %mul3A_244 = arith.constant 640 : i32
        %mul3A_245 = arith.muli %arg1, %mul3A_244 : i32
        %mul3A_246 = arith.constant 80 : i32
        %mul3A_247 = arith.muli %scan3A_243, %mul3A_246 : i32
        %add3A = arith.addi %mul3A_245, %mul3A_247 : i32
        "tpu.region"() ({
          %run_scoped3A_248 = tpu.sem_alloc : memref<!tpu.dma_semaphore, #tpu.memory_space<semaphore_mem>>
          %dma_start3A_249 = arith.constant 0 : i32
          %dma_start3A_250 = arith.constant 0 : i32
          %dma_start3A_251 = tpu.memref_slice %arg11[%dma_start3A_249, %dma_start3A_250] : memref<128x128xf32, #tpu.memory_space<vmem>> -> memref<80x128xf32, #tpu.memory_space<vmem>>
          %dma_start3A_252 = arith.constant 0 : i32
          %dma_start3A_253 = tpu.memref_slice %arg2[%add3A, %dma_start3A_252] : memref<10240x128xf32, #tpu.memory_space<hbm>> -> memref<80x128xf32, #tpu.memory_space<hbm>>
          %dma_start3A_254 = arith.constant 0 : i32
          %dma_start3A_255 = arith.constant 0 : i32
          %dma_start3A_256 = tpu.memref_slice %arg11[%dma_start3A_254, %dma_start3A_255] : memref<128x128xf32, #tpu.memory_space<vmem>> -> memref<80x128xf32, #tpu.memory_space<vmem>>
          %dma_start3A_257 = arith.constant 0 : i32
          %dma_start3A_258 = tpu.memref_slice %arg2[%add3A, %dma_start3A_257] : memref<10240x128xf32, #tpu.memory_space<hbm>> -> memref<80x128xf32, #tpu.memory_space<hbm>>
          tpu.enqueue_dma source(%dma_start3A_258 : memref<80x128xf32, #tpu.memory_space<hbm>>) target(%dma_start3A_256 : memref<80x128xf32, #tpu.memory_space<vmem>>) target_semaphore(%run_scoped3A_248 : memref<!tpu.dma_semaphore, #tpu.memory_space<semaphore_mem>>)
          %dma_wait3A = arith.constant 0 : i32
          %dma_wait3A_259 = arith.constant 0 : i32
          %dma_wait3A_260 = tpu.memref_slice %arg11[%dma_wait3A, %dma_wait3A_259] : memref<128x128xf32, #tpu.memory_space<vmem>> -> memref<80x128xf32, #tpu.memory_space<vmem>>
          %dma_wait3A_261 = arith.constant 0 : i32
          %dma_wait3A_262 = tpu.memref_slice %arg2[%add3A, %dma_wait3A_261] : memref<10240x128xf32, #tpu.memory_space<hbm>> -> memref<80x128xf32, #tpu.memory_space<hbm>>
          %dma_wait3A_263 = arith.constant 0 : i32
          %dma_wait3A_264 = arith.constant 0 : i32
          %dma_wait3A_265 = tpu.memref_slice %arg11[%dma_wait3A_263, %dma_wait3A_264] : memref<128x128xf32, #tpu.memory_space<vmem>> -> memref<80x128xf32, #tpu.memory_space<vmem>>
          %dma_wait3A_266 = arith.constant 0 : i32
          %dma_wait3A_267 = tpu.memref_slice %arg2[%add3A, %dma_wait3A_266] : memref<10240x128xf32, #tpu.memory_space<hbm>> -> memref<80x128xf32, #tpu.memory_space<hbm>>
          tpu.wait_dma2 semaphore(%run_scoped3A_248 : memref<!tpu.dma_semaphore, #tpu.memory_space<semaphore_mem>>) src(%dma_wait3A_267 : memref<80x128xf32, #tpu.memory_space<hbm>>) dst(%dma_wait3A_265 : memref<80x128xf32, #tpu.memory_space<vmem>>)
          tpu.yield
        }) : () -> ()
        "tpu.region"() ({
          %run_scoped3A_248 = tpu.sem_alloc : memref<!tpu.dma_semaphore, #tpu.memory_space<semaphore_mem>>
          %dma_start3A_249 = arith.constant 0 : i32
          %dma_start3A_250 = arith.constant 0 : i32
          %dma_start3A_251 = tpu.memref_slice %arg11[%dma_start3A_249, %dma_start3A_250] : memref<128x128xf32, #tpu.memory_space<vmem>> -> memref<80x128xf32, #tpu.memory_space<vmem>>
          %dma_start3A_252 = arith.constant 0 : i32
          %dma_start3A_253 = tpu.memref_slice %arg9[%add3A, %dma_start3A_252] : memref<10240x128xf32, #tpu.memory_space<vmem_shared>> -> memref<80x128xf32, #tpu.memory_space<vmem_shared>>
          %dma_start3A_254 = arith.constant 0 : i32
          %dma_start3A_255 = tpu.memref_slice %arg9[%add3A, %dma_start3A_254] : memref<10240x128xf32, #tpu.memory_space<vmem_shared>> -> memref<80x128xf32, #tpu.memory_space<vmem_shared>>
          %dma_start3A_256 = arith.constant 0 : i32
          %dma_start3A_257 = arith.constant 0 : i32
          %dma_start3A_258 = tpu.memref_slice %arg11[%dma_start3A_256, %dma_start3A_257] : memref<128x128xf32, #tpu.memory_space<vmem>> -> memref<80x128xf32, #tpu.memory_space<vmem>>
          tpu.enqueue_dma source(%dma_start3A_258 : memref<80x128xf32, #tpu.memory_space<vmem>>) target(%dma_start3A_255 : memref<80x128xf32, #tpu.memory_space<vmem_shared>>) target_semaphore(%run_scoped3A_248 : memref<!tpu.dma_semaphore, #tpu.memory_space<semaphore_mem>>)
          %dma_wait3A = arith.constant 0 : i32
          %dma_wait3A_259 = arith.constant 0 : i32
          %dma_wait3A_260 = tpu.memref_slice %arg11[%dma_wait3A, %dma_wait3A_259] : memref<128x128xf32, #tpu.memory_space<vmem>> -> memref<80x128xf32, #tpu.memory_space<vmem>>
          %dma_wait3A_261 = arith.constant 0 : i32
          %dma_wait3A_262 = tpu.memref_slice %arg9[%add3A, %dma_wait3A_261] : memref<10240x128xf32, #tpu.memory_space<vmem_shared>> -> memref<80x128xf32, #tpu.memory_space<vmem_shared>>
          %dma_wait3A_263 = arith.constant 0 : i32
          %dma_wait3A_264 = tpu.memref_slice %arg9[%add3A, %dma_wait3A_263] : memref<10240x128xf32, #tpu.memory_space<vmem_shared>> -> memref<80x128xf32, #tpu.memory_space<vmem_shared>>
          %dma_wait3A_265 = arith.constant 0 : i32
          %dma_wait3A_266 = arith.constant 0 : i32
          %dma_wait3A_267 = tpu.memref_slice %arg11[%dma_wait3A_265, %dma_wait3A_266] : memref<128x128xf32, #tpu.memory_space<vmem>> -> memref<80x128xf32, #tpu.memory_space<vmem>>
          tpu.wait_dma2 semaphore(%run_scoped3A_248 : memref<!tpu.dma_semaphore, #tpu.memory_space<semaphore_mem>>) src(%dma_wait3A_267 : memref<80x128xf32, #tpu.memory_space<vmem>>) dst(%dma_wait3A_264 : memref<80x128xf32, #tpu.memory_space<vmem_shared>>)
          tpu.yield
        }) : () -> ()
      }
      %scan3A_204 = arith.constant 8 : i32
      %barrier3A = arith.constant 0 : index
      tpu.barrier barrier_id(%barrier3A)
      %run_scoped3A = arith.constant 0 : i32
      %run_scoped3A_205 = arith.constant 0 : i32
      "tpu.region"() ({
        %run_scoped3A_243 = tpu.sem_alloc : memref<!tpu.dma_semaphore, #tpu.memory_space<semaphore_mem>>
        %dma_start3A_244 = arith.constant 0 : i32
        %dma_start3A_245 = tpu.memref_slice %arg4[%arg1, %run_scoped3A, %run_scoped3A_205, %dma_start3A_244] : memref<16x80x1x128xi32, #tpu.memory_space<hbm>> -> memref<1x1x1x128xi32, #tpu.memory_space<hbm>>
        %dma_start3A_246 = tpu.memref_squeeze %dma_start3A_245 : memref<1x1x1x128xi32, #tpu.memory_space<hbm>> -> memref<128xi32, #tpu.memory_space<hbm>>
        %dma_start3A_247 = arith.constant 0 : i32
        %dma_start3A_248 = tpu.memref_slice %arg4[%arg1, %run_scoped3A, %run_scoped3A_205, %dma_start3A_247] : memref<16x80x1x128xi32, #tpu.memory_space<hbm>> -> memref<1x1x1x128xi32, #tpu.memory_space<hbm>>
        %dma_start3A_249 = tpu.memref_squeeze %dma_start3A_248 : memref<1x1x1x128xi32, #tpu.memory_space<hbm>> -> memref<128xi32, #tpu.memory_space<hbm>>
        tpu.enqueue_dma source(%dma_start3A_249 : memref<128xi32, #tpu.memory_space<hbm>>) target(%arg13 : memref<128xi32, #tpu.memory_space<vmem>>) target_semaphore(%run_scoped3A_243 : memref<!tpu.dma_semaphore, #tpu.memory_space<semaphore_mem>>)
        %dma_wait3A = arith.constant 0 : i32
        %dma_wait3A_250 = tpu.memref_slice %arg4[%arg1, %run_scoped3A, %run_scoped3A_205, %dma_wait3A] : memref<16x80x1x128xi32, #tpu.memory_space<hbm>> -> memref<1x1x1x128xi32, #tpu.memory_space<hbm>>
        %dma_wait3A_251 = tpu.memref_squeeze %dma_wait3A_250 : memref<1x1x1x128xi32, #tpu.memory_space<hbm>> -> memref<128xi32, #tpu.memory_space<hbm>>
        %dma_wait3A_252 = arith.constant 0 : i32
        %dma_wait3A_253 = tpu.memref_slice %arg4[%arg1, %run_scoped3A, %run_scoped3A_205, %dma_wait3A_252] : memref<16x80x1x128xi32, #tpu.memory_space<hbm>> -> memref<1x1x1x128xi32, #tpu.memory_space<hbm>>
        %dma_wait3A_254 = tpu.memref_squeeze %dma_wait3A_253 : memref<1x1x1x128xi32, #tpu.memory_space<hbm>> -> memref<128xi32, #tpu.memory_space<hbm>>
        tpu.wait_dma2 semaphore(%run_scoped3A_243 : memref<!tpu.dma_semaphore, #tpu.memory_space<semaphore_mem>>) src(%dma_wait3A_254 : memref<128xi32, #tpu.memory_space<hbm>>) dst(%arg13 : memref<128xi32, #tpu.memory_space<vmem>>)
        tpu.yield
      }) : () -> ()
      %run_scoped3A_206 = arith.constant 0 : i32
      %run_scoped3A_207 = arith.constant 0 : i32
      "tpu.region"() ({
        %run_scoped3A_243 = tpu.sem_alloc : memref<!tpu.dma_semaphore, #tpu.memory_space<semaphore_mem>>
        %dma_start3A_244 = arith.constant 0 : i32
        %dma_start3A_245 = tpu.memref_slice %arg5[%arg1, %run_scoped3A_206, %run_scoped3A_207, %dma_start3A_244] : memref<16x80x1x128xi32, #tpu.memory_space<hbm>> -> memref<1x1x1x128xi32, #tpu.memory_space<hbm>>
        %dma_start3A_246 = tpu.memref_squeeze %dma_start3A_245 : memref<1x1x1x128xi32, #tpu.memory_space<hbm>> -> memref<128xi32, #tpu.memory_space<hbm>>
        %dma_start3A_247 = arith.constant 0 : i32
        %dma_start3A_248 = tpu.memref_slice %arg5[%arg1, %run_scoped3A_206, %run_scoped3A_207, %dma_start3A_247] : memref<16x80x1x128xi32, #tpu.memory_space<hbm>> -> memref<1x1x1x128xi32, #tpu.memory_space<hbm>>
        %dma_start3A_249 = tpu.memref_squeeze %dma_start3A_248 : memref<1x1x1x128xi32, #tpu.memory_space<hbm>> -> memref<128xi32, #tpu.memory_space<hbm>>
        tpu.enqueue_dma source(%dma_start3A_249 : memref<128xi32, #tpu.memory_space<hbm>>) target(%arg15 : memref<128xi32, #tpu.memory_space<vmem>>) target_semaphore(%run_scoped3A_243 : memref<!tpu.dma_semaphore, #tpu.memory_space<semaphore_mem>>)
        %dma_wait3A = arith.constant 0 : i32
        %dma_wait3A_250 = tpu.memref_slice %arg5[%arg1, %run_scoped3A_206, %run_scoped3A_207, %dma_wait3A] : memref<16x80x1x128xi32, #tpu.memory_space<hbm>> -> memref<1x1x1x128xi32, #tpu.memory_space<hbm>>
        %dma_wait3A_251 = tpu.memref_squeeze %dma_wait3A_250 : memref<1x1x1x128xi32, #tpu.memory_space<hbm>> -> memref<128xi32, #tpu.memory_space<hbm>>
        %dma_wait3A_252 = arith.constant 0 : i32
        %dma_wait3A_253 = tpu.memref_slice %arg5[%arg1, %run_scoped3A_206, %run_scoped3A_207, %dma_wait3A_252] : memref<16x80x1x128xi32, #tpu.memory_space<hbm>> -> memref<1x1x1x128xi32, #tpu.memory_space<hbm>>
        %dma_wait3A_254 = tpu.memref_squeeze %dma_wait3A_253 : memref<1x1x1x128xi32, #tpu.memory_space<hbm>> -> memref<128xi32, #tpu.memory_space<hbm>>
        tpu.wait_dma2 semaphore(%run_scoped3A_243 : memref<!tpu.dma_semaphore, #tpu.memory_space<semaphore_mem>>) src(%dma_wait3A_254 : memref<128xi32, #tpu.memory_space<hbm>>) dst(%arg15 : memref<128xi32, #tpu.memory_space<vmem>>)
        tpu.yield
      }) : () -> ()
      %dma_start3A = arith.constant 0 : i32
      %dma_start3A_208 = arith.constant 0 : i32
      %dma_start3A_209 = tpu.memref_slice %arg2[%dma_start3A, %dma_start3A_208] : memref<10240x128xf32, #tpu.memory_space<hbm>> -> memref<10240x128xf32, #tpu.memory_space<hbm>>
      tpu.enqueue_indirect_dma source(%dma_start3A_209 : memref<10240x128xf32, #tpu.memory_space<hbm>>) target(%arg11 : memref<128x128xf32, #tpu.memory_space<vmem>>) offsets(%arg13 : memref<128xi32, #tpu.memory_space<vmem>>) semaphore(%arg19 : memref<!tpu.dma_semaphore, #tpu.memory_space<semaphore_mem>>)
      %dma_start3A_210 = arith.constant 1 : i32
      %dma_start3A_211 = arith.constant 0 : i32
      %dma_start3A_212 = arith.constant 0 : i32
      %dma_start3A_213 = tpu.memref_slice %arg4[%arg1, %dma_start3A_210, %dma_start3A_211, %dma_start3A_212] : memref<16x80x1x128xi32, #tpu.memory_space<hbm>> -> memref<1x1x1x128xi32, #tpu.memory_space<hbm>>
      %dma_start3A_214 = tpu.memref_squeeze %dma_start3A_213 : memref<1x1x1x128xi32, #tpu.memory_space<hbm>> -> memref<128xi32, #tpu.memory_space<hbm>>
      %dma_start3A_215 = arith.constant 0 : i32
      %dma_start3A_216 = tpu.memref_slice %arg4[%arg1, %dma_start3A_210, %dma_start3A_211, %dma_start3A_215] : memref<16x80x1x128xi32, #tpu.memory_space<hbm>> -> memref<1x1x1x128xi32, #tpu.memory_space<hbm>>
      %dma_start3A_217 = tpu.memref_squeeze %dma_start3A_216 : memref<1x1x1x128xi32, #tpu.memory_space<hbm>> -> memref<128xi32, #tpu.memory_space<hbm>>
      tpu.enqueue_dma source(%dma_start3A_217 : memref<128xi32, #tpu.memory_space<hbm>>) target(%arg14 : memref<128xi32, #tpu.memory_space<vmem>>) target_semaphore(%arg22 : memref<!tpu.dma_semaphore, #tpu.memory_space<semaphore_mem>>)
      %dma_start3A_218 = arith.constant 1 : i32
      %dma_start3A_219 = arith.constant 0 : i32
      %dma_start3A_220 = arith.constant 0 : i32
      %dma_start3A_221 = tpu.memref_slice %arg5[%arg1, %dma_start3A_218, %dma_start3A_219, %dma_start3A_220] : memref<16x80x1x128xi32, #tpu.memory_space<hbm>> -> memref<1x1x1x128xi32, #tpu.memory_space<hbm>>
      %dma_start3A_222 = tpu.memref_squeeze %dma_start3A_221 : memref<1x1x1x128xi32, #tpu.memory_space<hbm>> -> memref<128xi32, #tpu.memory_space<hbm>>
      %dma_start3A_223 = arith.constant 0 : i32
      %dma_start3A_224 = tpu.memref_slice %arg5[%arg1, %dma_start3A_218, %dma_start3A_219, %dma_start3A_223] : memref<16x80x1x128xi32, #tpu.memory_space<hbm>> -> memref<1x1x1x128xi32, #tpu.memory_space<hbm>>
      %dma_start3A_225 = tpu.memref_squeeze %dma_start3A_224 : memref<1x1x1x128xi32, #tpu.memory_space<hbm>> -> memref<128xi32, #tpu.memory_space<hbm>>
      tpu.enqueue_dma source(%dma_start3A_225 : memref<128xi32, #tpu.memory_space<hbm>>) target(%arg16 : memref<128xi32, #tpu.memory_space<vmem>>) target_semaphore(%arg22 : memref<!tpu.dma_semaphore, #tpu.memory_space<semaphore_mem>>)
      %scan3A_226 = arith.constant 0 : i32
      %scan3A_227 = arith.constant 0 : i32
      %scan3A_228 = arith.constant 40 : i32
      %scan3A_229 = arith.addi %scan3A_227, %scan3A_228 : i32
      %scan3A_230 = arith.constant 1 : i32
      scf.for %scan3A_243 = %scan3A_227 to %scan3A_229 step %scan3A_230  : i32 {
        %mul3A_244 = arith.constant 2 : i32
        %mul3A_245 = arith.muli %mul3A_244, %scan3A_243 : i32
        %add3A = arith.constant 1 : i32
        %add3A_246 = arith.addi %mul3A_245, %add3A : i32
        %dma_wait3A = arith.constant 0 : i32
        %dma_wait3A_247 = arith.constant 0 : i32
        %dma_wait3A_248 = tpu.memref_slice %arg4[%arg1, %add3A_246, %dma_wait3A, %dma_wait3A_247] : memref<16x80x1x128xi32, #tpu.memory_space<hbm>> -> memref<1x1x1x128xi32, #tpu.memory_space<hbm>>
        %dma_wait3A_249 = tpu.memref_squeeze %dma_wait3A_248 : memref<1x1x1x128xi32, #tpu.memory_space<hbm>> -> memref<128xi32, #tpu.memory_space<hbm>>
        %dma_wait3A_250 = arith.constant 0 : i32
        %dma_wait3A_251 = tpu.memref_slice %arg4[%arg1, %add3A_246, %dma_wait3A, %dma_wait3A_250] : memref<16x80x1x128xi32, #tpu.memory_space<hbm>> -> memref<1x1x1x128xi32, #tpu.memory_space<hbm>>
        %dma_wait3A_252 = tpu.memref_squeeze %dma_wait3A_251 : memref<1x1x1x128xi32, #tpu.memory_space<hbm>> -> memref<128xi32, #tpu.memory_space<hbm>>
        tpu.wait_dma2 semaphore(%arg22 : memref<!tpu.dma_semaphore, #tpu.memory_space<semaphore_mem>>) src(%dma_wait3A_252 : memref<128xi32, #tpu.memory_space<hbm>>) dst(%arg14 : memref<128xi32, #tpu.memory_space<vmem>>)
        %dma_wait3A_253 = arith.constant 0 : i32
        %dma_wait3A_254 = arith.constant 0 : i32
        %dma_wait3A_255 = tpu.memref_slice %arg5[%arg1, %add3A_246, %dma_wait3A_253, %dma_wait3A_254] : memref<16x80x1x128xi32, #tpu.memory_space<hbm>> -> memref<1x1x1x128xi32, #tpu.memory_space<hbm>>
        %dma_wait3A_256 = tpu.memref_squeeze %dma_wait3A_255 : memref<1x1x1x128xi32, #tpu.memory_space<hbm>> -> memref<128xi32, #tpu.memory_space<hbm>>
        %dma_wait3A_257 = arith.constant 0 : i32
        %dma_wait3A_258 = tpu.memref_slice %arg5[%arg1, %add3A_246, %dma_wait3A_253, %dma_wait3A_257] : memref<16x80x1x128xi32, #tpu.memory_space<hbm>> -> memref<1x1x1x128xi32, #tpu.memory_space<hbm>>
        %dma_wait3A_259 = tpu.memref_squeeze %dma_wait3A_258 : memref<1x1x1x128xi32, #tpu.memory_space<hbm>> -> memref<128xi32, #tpu.memory_space<hbm>>
        tpu.wait_dma2 semaphore(%arg22 : memref<!tpu.dma_semaphore, #tpu.memory_space<semaphore_mem>>) src(%dma_wait3A_259 : memref<128xi32, #tpu.memory_space<hbm>>) dst(%arg16 : memref<128xi32, #tpu.memory_space<vmem>>)
        %dma_start3A_260 = arith.constant 0 : i32
        %dma_start3A_261 = arith.constant 0 : i32
        %dma_start3A_262 = tpu.memref_slice %arg2[%dma_start3A_260, %dma_start3A_261] : memref<10240x128xf32, #tpu.memory_space<hbm>> -> memref<10240x128xf32, #tpu.memory_space<hbm>>
        tpu.enqueue_indirect_dma source(%dma_start3A_262 : memref<10240x128xf32, #tpu.memory_space<hbm>>) target(%arg12 : memref<128x128xf32, #tpu.memory_space<vmem>>) offsets(%arg14 : memref<128xi32, #tpu.memory_space<vmem>>) semaphore(%arg20 : memref<!tpu.dma_semaphore, #tpu.memory_space<semaphore_mem>>)
        %dma_wait3A_263 = arith.constant 0 : i32
        %dma_wait3A_264 = arith.constant 0 : i32
        %dma_wait3A_265 = tpu.memref_slice %arg2[%dma_wait3A_263, %dma_wait3A_264] : memref<10240x128xf32, #tpu.memory_space<hbm>> -> memref<10240x128xf32, #tpu.memory_space<hbm>>
        tpu.wait_indirect_dma semaphore(%arg19 : memref<!tpu.dma_semaphore, #tpu.memory_space<semaphore_mem>>) src(%dma_wait3A_265 : memref<10240x128xf32, #tpu.memory_space<hbm>>) dst(%arg11 : memref<128x128xf32, #tpu.memory_space<vmem>>)
        "tpu.region"() ({
          %run_scoped3A_282 = tpu.sem_alloc : memref<!tpu.dma_semaphore, #tpu.memory_space<semaphore_mem>>
          %dma_start3A_283 = arith.constant 0 : i32
          %dma_start3A_284 = arith.constant 0 : i32
          %dma_start3A_285 = tpu.memref_slice %arg9[%dma_start3A_283, %dma_start3A_284] : memref<10240x128xf32, #tpu.memory_space<vmem_shared>> -> memref<10240x128xf32, #tpu.memory_space<vmem_shared>>
          tpu.enqueue_indirect_dma source(%arg11 : memref<128x128xf32, #tpu.memory_space<vmem>>) target(%dma_start3A_285 : memref<10240x128xf32, #tpu.memory_space<vmem_shared>>) offsets(%arg15 : memref<128xi32, #tpu.memory_space<vmem>>) semaphore(%run_scoped3A_282 : memref<!tpu.dma_semaphore, #tpu.memory_space<semaphore_mem>>) {add = true}
          %dma_wait3A_286 = arith.constant 0 : i32
          %dma_wait3A_287 = arith.constant 0 : i32
          %dma_wait3A_288 = tpu.memref_slice %arg9[%dma_wait3A_286, %dma_wait3A_287] : memref<10240x128xf32, #tpu.memory_space<vmem_shared>> -> memref<10240x128xf32, #tpu.memory_space<vmem_shared>>
          tpu.wait_indirect_dma semaphore(%run_scoped3A_282 : memref<!tpu.dma_semaphore, #tpu.memory_space<semaphore_mem>>) src(%arg11 : memref<128x128xf32, #tpu.memory_space<vmem>>) dst(%dma_wait3A_288 : memref<10240x128xf32, #tpu.memory_space<vmem_shared>>)
          tpu.yield
        }) : () -> ()
        "tpu.region"() ({
          %run_scoped3A_282 = tpu.sem_alloc : memref<!tpu.dma_semaphore, #tpu.memory_space<semaphore_mem>>
          %dma_start3A_283 = arith.constant 0 : i32
          %dma_start3A_284 = tpu.memref_slice %arg10[%dma_start3A_283] : memref<10240xf32, #tpu.memory_space<vmem_shared>> -> memref<10240xf32, #tpu.memory_space<vmem_shared>>
          tpu.enqueue_indirect_dma source(%arg17 : memref<128xf32, #tpu.memory_space<vmem>>) target(%dma_start3A_284 : memref<10240xf32, #tpu.memory_space<vmem_shared>>) offsets(%arg15 : memref<128xi32, #tpu.memory_space<vmem>>) semaphore(%run_scoped3A_282 : memref<!tpu.dma_semaphore, #tpu.memory_space<semaphore_mem>>) {add = true}
          %dma_wait3A_285 = arith.constant 0 : i32
          %dma_wait3A_286 = tpu.memref_slice %arg10[%dma_wait3A_285] : memref<10240xf32, #tpu.memory_space<vmem_shared>> -> memref<10240xf32, #tpu.memory_space<vmem_shared>>
          tpu.wait_indirect_dma semaphore(%run_scoped3A_282 : memref<!tpu.dma_semaphore, #tpu.memory_space<semaphore_mem>>) src(%arg17 : memref<128xf32, #tpu.memory_space<vmem>>) dst(%dma_wait3A_286 : memref<10240xf32, #tpu.memory_space<vmem_shared>>)
          tpu.yield
        }) : () -> ()
        %add3A_266 = arith.constant 1 : i32
        %add3A_267 = arith.addi %scan3A_243, %add3A_266 : i32
        %lt3A = arith.constant 40 : i32
        %lt3A_268 = arith.cmpi slt, %add3A_267, %lt3A : i32
        %convert_element_type3A_269 = arith.extui %lt3A_268 : i1 to i32
        %cond3A_270 = arith.constant 0 : i32
        %cond3A_271 = arith.cmpi ne, %convert_element_type3A_269, %cond3A_270 : i32
        scf.if %cond3A_271 {
          %add3A_282 = arith.constant 2 : i32
          %add3A_283 = arith.addi %mul3A_245, %add3A_282 : i32
          %dma_start3A_284 = arith.constant 0 : i32
          %dma_start3A_285 = arith.constant 0 : i32
          %dma_start3A_286 = tpu.memref_slice %arg4[%arg1, %add3A_283, %dma_start3A_284, %dma_start3A_285] : memref<16x80x1x128xi32, #tpu.memory_space<hbm>> -> memref<1x1x1x128xi32, #tpu.memory_space<hbm>>
          %dma_start3A_287 = tpu.memref_squeeze %dma_start3A_286 : memref<1x1x1x128xi32, #tpu.memory_space<hbm>> -> memref<128xi32, #tpu.memory_space<hbm>>
          %dma_start3A_288 = arith.constant 0 : i32
          %dma_start3A_289 = tpu.memref_slice %arg4[%arg1, %add3A_283, %dma_start3A_284, %dma_start3A_288] : memref<16x80x1x128xi32, #tpu.memory_space<hbm>> -> memref<1x1x1x128xi32, #tpu.memory_space<hbm>>
          %dma_start3A_290 = tpu.memref_squeeze %dma_start3A_289 : memref<1x1x1x128xi32, #tpu.memory_space<hbm>> -> memref<128xi32, #tpu.memory_space<hbm>>
          tpu.enqueue_dma source(%dma_start3A_290 : memref<128xi32, #tpu.memory_space<hbm>>) target(%arg13 : memref<128xi32, #tpu.memory_space<vmem>>) target_semaphore(%arg21 : memref<!tpu.dma_semaphore, #tpu.memory_space<semaphore_mem>>)
          %dma_start3A_291 = arith.constant 0 : i32
          %dma_start3A_292 = arith.constant 0 : i32
          %dma_start3A_293 = tpu.memref_slice %arg5[%arg1, %add3A_283, %dma_start3A_291, %dma_start3A_292] : memref<16x80x1x128xi32, #tpu.memory_space<hbm>> -> memref<1x1x1x128xi32, #tpu.memory_space<hbm>>
          %dma_start3A_294 = tpu.memref_squeeze %dma_start3A_293 : memref<1x1x1x128xi32, #tpu.memory_space<hbm>> -> memref<128xi32, #tpu.memory_space<hbm>>
          %dma_start3A_295 = arith.constant 0 : i32
          %dma_start3A_296 = tpu.memref_slice %arg5[%arg1, %add3A_283, %dma_start3A_291, %dma_start3A_295] : memref<16x80x1x128xi32, #tpu.memory_space<hbm>> -> memref<1x1x1x128xi32, #tpu.memory_space<hbm>>
          %dma_start3A_297 = tpu.memref_squeeze %dma_start3A_296 : memref<1x1x1x128xi32, #tpu.memory_space<hbm>> -> memref<128xi32, #tpu.memory_space<hbm>>
          tpu.enqueue_dma source(%dma_start3A_297 : memref<128xi32, #tpu.memory_space<hbm>>) target(%arg15 : memref<128xi32, #tpu.memory_space<vmem>>) target_semaphore(%arg21 : memref<!tpu.dma_semaphore, #tpu.memory_space<semaphore_mem>>)
        } else {
        }
        %dma_wait3A_272 = arith.constant 0 : i32
        %dma_wait3A_273 = arith.constant 0 : i32
        %dma_wait3A_274 = tpu.memref_slice %arg2[%dma_wait3A_272, %dma_wait3A_273] : memref<10240x128xf32, #tpu.memory_space<hbm>> -> memref<10240x128xf32, #tpu.memory_space<hbm>>
        tpu.wait_indirect_dma semaphore(%arg20 : memref<!tpu.dma_semaphore, #tpu.memory_space<semaphore_mem>>) src(%dma_wait3A_274 : memref<10240x128xf32, #tpu.memory_space<hbm>>) dst(%arg12 : memref<128x128xf32, #tpu.memory_space<vmem>>)
        "tpu.region"() ({
          %run_scoped3A_282 = tpu.sem_alloc : memref<!tpu.dma_semaphore, #tpu.memory_space<semaphore_mem>>
          %dma_start3A_283 = arith.constant 0 : i32
          %dma_start3A_284 = arith.constant 0 : i32
          %dma_start3A_285 = tpu.memref_slice %arg9[%dma_start3A_283, %dma_start3A_284] : memref<10240x128xf32, #tpu.memory_space<vmem_shared>> -> memref<10240x128xf32, #tpu.memory_space<vmem_shared>>
          tpu.enqueue_indirect_dma source(%arg12 : memref<128x128xf32, #tpu.memory_space<vmem>>) target(%dma_start3A_285 : memref<10240x128xf32, #tpu.memory_space<vmem_shared>>) offsets(%arg16 : memref<128xi32, #tpu.memory_space<vmem>>) semaphore(%run_scoped3A_282 : memref<!tpu.dma_semaphore, #tpu.memory_space<semaphore_mem>>) {add = true}
          %dma_wait3A_286 = arith.constant 0 : i32
          %dma_wait3A_287 = arith.constant 0 : i32
          %dma_wait3A_288 = tpu.memref_slice %arg9[%dma_wait3A_286, %dma_wait3A_287] : memref<10240x128xf32, #tpu.memory_space<vmem_shared>> -> memref<10240x128xf32, #tpu.memory_space<vmem_shared>>
          tpu.wait_indirect_dma semaphore(%run_scoped3A_282 : memref<!tpu.dma_semaphore, #tpu.memory_space<semaphore_mem>>) src(%arg12 : memref<128x128xf32, #tpu.memory_space<vmem>>) dst(%dma_wait3A_288 : memref<10240x128xf32, #tpu.memory_space<vmem_shared>>)
          tpu.yield
        }) : () -> ()
        "tpu.region"() ({
          %run_scoped3A_282 = tpu.sem_alloc : memref<!tpu.dma_semaphore, #tpu.memory_space<semaphore_mem>>
          %dma_start3A_283 = arith.constant 0 : i32
          %dma_start3A_284 = tpu.memref_slice %arg10[%dma_start3A_283] : memref<10240xf32, #tpu.memory_space<vmem_shared>> -> memref<10240xf32, #tpu.memory_space<vmem_shared>>
          tpu.enqueue_indirect_dma source(%arg17 : memref<128xf32, #tpu.memory_space<vmem>>) target(%dma_start3A_284 : memref<10240xf32, #tpu.memory_space<vmem_shared>>) offsets(%arg16 : memref<128xi32, #tpu.memory_space<vmem>>) semaphore(%run_scoped3A_282 : memref<!tpu.dma_semaphore, #tpu.memory_space<semaphore_mem>>) {add = true}
          %dma_wait3A_285 = arith.constant 0 : i32
          %dma_wait3A_286 = tpu.memref_slice %arg10[%dma_wait3A_285] : memref<10240xf32, #tpu.memory_space<vmem_shared>> -> memref<10240xf32, #tpu.memory_space<vmem_shared>>
          tpu.wait_indirect_dma semaphore(%run_scoped3A_282 : memref<!tpu.dma_semaphore, #tpu.memory_space<semaphore_mem>>) src(%arg17 : memref<128xf32, #tpu.memory_space<vmem>>) dst(%dma_wait3A_286 : memref<10240xf32, #tpu.memory_space<vmem_shared>>)
          tpu.yield
        }) : () -> ()
        %add3A_275 = arith.constant 1 : i32
        %add3A_276 = arith.addi %scan3A_243, %add3A_275 : i32
        %lt3A_277 = arith.constant 40 : i32
        %lt3A_278 = arith.cmpi slt, %add3A_276, %lt3A_277 : i32
        %convert_element_type3A_279 = arith.extui %lt3A_278 : i1 to i32
        %cond3A_280 = arith.constant 0 : i32
        %cond3A_281 = arith.cmpi ne, %convert_element_type3A_279, %cond3A_280 : i32
        scf.if %cond3A_281 {
          %add3A_282 = arith.constant 2 : i32
          %add3A_283 = arith.addi %add3A_246, %add3A_282 : i32
          %dma_start3A_284 = arith.constant 0 : i32
          %dma_start3A_285 = arith.constant 0 : i32
          %dma_start3A_286 = tpu.memref_slice %arg4[%arg1, %add3A_283, %dma_start3A_284, %dma_start3A_285] : memref<16x80x1x128xi32, #tpu.memory_space<hbm>> -> memref<1x1x1x128xi32, #tpu.memory_space<hbm>>
          %dma_start3A_287 = tpu.memref_squeeze %dma_start3A_286 : memref<1x1x1x128xi32, #tpu.memory_space<hbm>> -> memref<128xi32, #tpu.memory_space<hbm>>
          %dma_start3A_288 = arith.constant 0 : i32
          %dma_start3A_289 = tpu.memref_slice %arg4[%arg1, %add3A_283, %dma_start3A_284, %dma_start3A_288] : memref<16x80x1x128xi32, #tpu.memory_space<hbm>> -> memref<1x1x1x128xi32, #tpu.memory_space<hbm>>
          %dma_start3A_290 = tpu.memref_squeeze %dma_start3A_289 : memref<1x1x1x128xi32, #tpu.memory_space<hbm>> -> memref<128xi32, #tpu.memory_space<hbm>>
          tpu.enqueue_dma source(%dma_start3A_290 : memref<128xi32, #tpu.memory_space<hbm>>) target(%arg14 : memref<128xi32, #tpu.memory_space<vmem>>) target_semaphore(%arg22 : memref<!tpu.dma_semaphore, #tpu.memory_space<semaphore_mem>>)
          %dma_start3A_291 = arith.constant 0 : i32
          %dma_start3A_292 = arith.constant 0 : i32
          %dma_start3A_293 = tpu.memref_slice %arg5[%arg1, %add3A_283, %dma_start3A_291, %dma_start3A_292] : memref<16x80x1x128xi32, #tpu.memory_space<hbm>> -> memref<1x1x1x128xi32, #tpu.memory_space<hbm>>
          %dma_start3A_294 = tpu.memref_squeeze %dma_start3A_293 : memref<1x1x1x128xi32, #tpu.memory_space<hbm>> -> memref<128xi32, #tpu.memory_space<hbm>>
          %dma_start3A_295 = arith.constant 0 : i32
          %dma_start3A_296 = tpu.memref_slice %arg5[%arg1, %add3A_283, %dma_start3A_291, %dma_start3A_295] : memref<16x80x1x128xi32, #tpu.memory_space<hbm>> -> memref<1x1x1x128xi32, #tpu.memory_space<hbm>>
          %dma_start3A_297 = tpu.memref_squeeze %dma_start3A_296 : memref<1x1x1x128xi32, #tpu.memory_space<hbm>> -> memref<128xi32, #tpu.memory_space<hbm>>
          tpu.enqueue_dma source(%dma_start3A_297 : memref<128xi32, #tpu.memory_space<hbm>>) target(%arg16 : memref<128xi32, #tpu.memory_space<vmem>>) target_semaphore(%arg22 : memref<!tpu.dma_semaphore, #tpu.memory_space<semaphore_mem>>)
          %add3A_298 = arith.constant 2 : i32
          %add3A_299 = arith.addi %mul3A_245, %add3A_298 : i32
          %dma_wait3A_300 = arith.constant 0 : i32
          %dma_wait3A_301 = arith.constant 0 : i32
          %dma_wait3A_302 = tpu.memref_slice %arg4[%arg1, %add3A_299, %dma_wait3A_300, %dma_wait3A_301] : memref<16x80x1x128xi32, #tpu.memory_space<hbm>> -> memref<1x1x1x128xi32, #tpu.memory_space<hbm>>
          %dma_wait3A_303 = tpu.memref_squeeze %dma_wait3A_302 : memref<1x1x1x128xi32, #tpu.memory_space<hbm>> -> memref<128xi32, #tpu.memory_space<hbm>>
          %dma_wait3A_304 = arith.constant 0 : i32
          %dma_wait3A_305 = tpu.memref_slice %arg4[%arg1, %add3A_299, %dma_wait3A_300, %dma_wait3A_304] : memref<16x80x1x128xi32, #tpu.memory_space<hbm>> -> memref<1x1x1x128xi32, #tpu.memory_space<hbm>>
          %dma_wait3A_306 = tpu.memref_squeeze %dma_wait3A_305 : memref<1x1x1x128xi32, #tpu.memory_space<hbm>> -> memref<128xi32, #tpu.memory_space<hbm>>
          tpu.wait_dma2 semaphore(%arg21 : memref<!tpu.dma_semaphore, #tpu.memory_space<semaphore_mem>>) src(%dma_wait3A_306 : memref<128xi32, #tpu.memory_space<hbm>>) dst(%arg13 : memref<128xi32, #tpu.memory_space<vmem>>)
          %dma_wait3A_307 = arith.constant 0 : i32
          %dma_wait3A_308 = arith.constant 0 : i32
          %dma_wait3A_309 = tpu.memref_slice %arg5[%arg1, %add3A_299, %dma_wait3A_307, %dma_wait3A_308] : memref<16x80x1x128xi32, #tpu.memory_space<hbm>> -> memref<1x1x1x128xi32, #tpu.memory_space<hbm>>
          %dma_wait3A_310 = tpu.memref_squeeze %dma_wait3A_309 : memref<1x1x1x128xi32, #tpu.memory_space<hbm>> -> memref<128xi32, #tpu.memory_space<hbm>>
          %dma_wait3A_311 = arith.constant 0 : i32
          %dma_wait3A_312 = tpu.memref_slice %arg5[%arg1, %add3A_299, %dma_wait3A_307, %dma_wait3A_311] : memref<16x80x1x128xi32, #tpu.memory_space<hbm>> -> memref<1x1x1x128xi32, #tpu.memory_space<hbm>>
          %dma_wait3A_313 = tpu.memref_squeeze %dma_wait3A_312 : memref<1x1x1x128xi32, #tpu.memory_space<hbm>> -> memref<128xi32, #tpu.memory_space<hbm>>
          tpu.wait_dma2 semaphore(%arg21 : memref<!tpu.dma_semaphore, #tpu.memory_space<semaphore_mem>>) src(%dma_wait3A_313 : memref<128xi32, #tpu.memory_space<hbm>>) dst(%arg15 : memref<128xi32, #tpu.memory_space<vmem>>)
          %dma_start3A_314 = arith.constant 0 : i32
          %dma_start3A_315 = arith.constant 0 : i32
          %dma_start3A_316 = tpu.memref_slice %arg2[%dma_start3A_314, %dma_start3A_315] : memref<10240x128xf32, #tpu.memory_space<hbm>> -> memref<10240x128xf32, #tpu.memory_space<hbm>>
          tpu.enqueue_indirect_dma source(%dma_start3A_316 : memref<10240x128xf32, #tpu.memory_space<hbm>>) target(%arg11 : memref<128x128xf32, #tpu.memory_space<vmem>>) offsets(%arg13 : memref<128xi32, #tpu.memory_space<vmem>>) semaphore(%arg19 : memref<!tpu.dma_semaphore, #tpu.memory_space<semaphore_mem>>)
        } else {
        }
      }
      %scan3A_231 = arith.constant 40 : i32
      %barrier3A_232 = arith.constant 0 : index
      tpu.barrier barrier_id(%barrier3A_232)
      %scan3A_233 = arith.constant 0 : i32
      %scan3A_234 = arith.constant 0 : i32
      %scan3A_235 = arith.constant 8 : i32
      %scan3A_236 = arith.addi %scan3A_234, %scan3A_235 : i32
      %scan3A_237 = arith.constant 1 : i32
      scf.for %scan3A_243 = %scan3A_234 to %scan3A_236 step %scan3A_237  : i32 {
        %mul3A_244 = arith.constant 640 : i32
        %mul3A_245 = arith.muli %arg1, %mul3A_244 : i32
        %mul3A_246 = arith.constant 80 : i32
        %mul3A_247 = arith.muli %scan3A_243, %mul3A_246 : i32
        %add3A = arith.addi %mul3A_245, %mul3A_247 : i32
        "tpu.region"() ({
          %run_scoped3A_248 = tpu.sem_alloc : memref<!tpu.dma_semaphore, #tpu.memory_space<semaphore_mem>>
          %dma_start3A_249 = arith.constant 0 : i32
          %dma_start3A_250 = arith.constant 0 : i32
          %dma_start3A_251 = tpu.memref_slice %arg11[%dma_start3A_249, %dma_start3A_250] : memref<128x128xf32, #tpu.memory_space<vmem>> -> memref<80x128xf32, #tpu.memory_space<vmem>>
          %dma_start3A_252 = arith.constant 0 : i32
          %dma_start3A_253 = tpu.memref_slice %arg9[%add3A, %dma_start3A_252] : memref<10240x128xf32, #tpu.memory_space<vmem_shared>> -> memref<80x128xf32, #tpu.memory_space<vmem_shared>>
          %dma_start3A_254 = arith.constant 0 : i32
          %dma_start3A_255 = arith.constant 0 : i32
          %dma_start3A_256 = tpu.memref_slice %arg11[%dma_start3A_254, %dma_start3A_255] : memref<128x128xf32, #tpu.memory_space<vmem>> -> memref<80x128xf32, #tpu.memory_space<vmem>>
          %dma_start3A_257 = arith.constant 0 : i32
          %dma_start3A_258 = tpu.memref_slice %arg9[%add3A, %dma_start3A_257] : memref<10240x128xf32, #tpu.memory_space<vmem_shared>> -> memref<80x128xf32, #tpu.memory_space<vmem_shared>>
          tpu.enqueue_dma source(%dma_start3A_258 : memref<80x128xf32, #tpu.memory_space<vmem_shared>>) target(%dma_start3A_256 : memref<80x128xf32, #tpu.memory_space<vmem>>) target_semaphore(%run_scoped3A_248 : memref<!tpu.dma_semaphore, #tpu.memory_space<semaphore_mem>>)
          %dma_wait3A = arith.constant 0 : i32
          %dma_wait3A_259 = arith.constant 0 : i32
          %dma_wait3A_260 = tpu.memref_slice %arg11[%dma_wait3A, %dma_wait3A_259] : memref<128x128xf32, #tpu.memory_space<vmem>> -> memref<80x128xf32, #tpu.memory_space<vmem>>
          %dma_wait3A_261 = arith.constant 0 : i32
          %dma_wait3A_262 = tpu.memref_slice %arg9[%add3A, %dma_wait3A_261] : memref<10240x128xf32, #tpu.memory_space<vmem_shared>> -> memref<80x128xf32, #tpu.memory_space<vmem_shared>>
          %dma_wait3A_263 = arith.constant 0 : i32
          %dma_wait3A_264 = arith.constant 0 : i32
          %dma_wait3A_265 = tpu.memref_slice %arg11[%dma_wait3A_263, %dma_wait3A_264] : memref<128x128xf32, #tpu.memory_space<vmem>> -> memref<80x128xf32, #tpu.memory_space<vmem>>
          %dma_wait3A_266 = arith.constant 0 : i32
          %dma_wait3A_267 = tpu.memref_slice %arg9[%add3A, %dma_wait3A_266] : memref<10240x128xf32, #tpu.memory_space<vmem_shared>> -> memref<80x128xf32, #tpu.memory_space<vmem_shared>>
          tpu.wait_dma2 semaphore(%run_scoped3A_248 : memref<!tpu.dma_semaphore, #tpu.memory_space<semaphore_mem>>) src(%dma_wait3A_267 : memref<80x128xf32, #tpu.memory_space<vmem_shared>>) dst(%dma_wait3A_265 : memref<80x128xf32, #tpu.memory_space<vmem>>)
          tpu.yield
        }) : () -> ()
        "tpu.region"() ({
          %run_scoped3A_248 = tpu.sem_alloc : memref<!tpu.dma_semaphore, #tpu.memory_space<semaphore_mem>>
          %dma_start3A_249 = arith.constant 0 : i32
          %dma_start3A_250 = arith.constant 0 : i32
          %dma_start3A_251 = tpu.memref_slice %arg11[%dma_start3A_249, %dma_start3A_250] : memref<128x128xf32, #tpu.memory_space<vmem>> -> memref<80x128xf32, #tpu.memory_space<vmem>>
          %dma_start3A_252 = arith.constant 0 : i32
          %dma_start3A_253 = tpu.memref_slice %arg6[%add3A, %dma_start3A_252] : memref<10240x128xf32, #tpu.memory_space<hbm>> -> memref<80x128xf32, #tpu.memory_space<hbm>>
          %dma_start3A_254 = arith.constant 0 : i32
          %dma_start3A_255 = tpu.memref_slice %arg6[%add3A, %dma_start3A_254] : memref<10240x128xf32, #tpu.memory_space<hbm>> -> memref<80x128xf32, #tpu.memory_space<hbm>>
          %dma_start3A_256 = arith.constant 0 : i32
          %dma_start3A_257 = arith.constant 0 : i32
          %dma_start3A_258 = tpu.memref_slice %arg11[%dma_start3A_256, %dma_start3A_257] : memref<128x128xf32, #tpu.memory_space<vmem>> -> memref<80x128xf32, #tpu.memory_space<vmem>>
          tpu.enqueue_dma source(%dma_start3A_258 : memref<80x128xf32, #tpu.memory_space<vmem>>) target(%dma_start3A_255 : memref<80x128xf32, #tpu.memory_space<hbm>>) target_semaphore(%run_scoped3A_248 : memref<!tpu.dma_semaphore, #tpu.memory_space<semaphore_mem>>)
          %dma_wait3A = arith.constant 0 : i32
          %dma_wait3A_259 = arith.constant 0 : i32
          %dma_wait3A_260 = tpu.memref_slice %arg11[%dma_wait3A, %dma_wait3A_259] : memref<128x128xf32, #tpu.memory_space<vmem>> -> memref<80x128xf32, #tpu.memory_space<vmem>>
          %dma_wait3A_261 = arith.constant 0 : i32
          %dma_wait3A_262 = tpu.memref_slice %arg6[%add3A, %dma_wait3A_261] : memref<10240x128xf32, #tpu.memory_space<hbm>> -> memref<80x128xf32, #tpu.memory_space<hbm>>
          %dma_wait3A_263 = arith.constant 0 : i32
          %dma_wait3A_264 = tpu.memref_slice %arg6[%add3A, %dma_wait3A_263] : memref<10240x128xf32, #tpu.memory_space<hbm>> -> memref<80x128xf32, #tpu.memory_space<hbm>>
          %dma_wait3A_265 = arith.constant 0 : i32
          %dma_wait3A_266 = arith.constant 0 : i32
          %dma_wait3A_267 = tpu.memref_slice %arg11[%dma_wait3A_265, %dma_wait3A_266] : memref<128x128xf32, #tpu.memory_space<vmem>> -> memref<80x128xf32, #tpu.memory_space<vmem>>
          tpu.wait_dma2 semaphore(%run_scoped3A_248 : memref<!tpu.dma_semaphore, #tpu.memory_space<semaphore_mem>>) src(%dma_wait3A_267 : memref<80x128xf32, #tpu.memory_space<vmem>>) dst(%dma_wait3A_264 : memref<80x128xf32, #tpu.memory_space<hbm>>)
          tpu.yield
        }) : () -> ()
      }
      %scan3A_238 = arith.constant 8 : i32
      %mul3A_239 = arith.constant 640 : i32
      %mul3A_240 = arith.muli %arg1, %mul3A_239 : i32
      "tpu.region"() ({
        %run_scoped3A_243 = tpu.sem_alloc : memref<!tpu.dma_semaphore, #tpu.memory_space<semaphore_mem>>
        %dma_start3A_244 = tpu.memref_slice %arg10[%mul3A_240] : memref<10240xf32, #tpu.memory_space<vmem_shared>> -> memref<640xf32, #tpu.memory_space<vmem_shared>>
        %dma_start3A_245 = tpu.memref_slice %arg10[%mul3A_240] : memref<10240xf32, #tpu.memory_space<vmem_shared>> -> memref<640xf32, #tpu.memory_space<vmem_shared>>
        tpu.enqueue_dma source(%dma_start3A_245 : memref<640xf32, #tpu.memory_space<vmem_shared>>) target(%arg18 : memref<640xf32, #tpu.memory_space<vmem>>) target_semaphore(%run_scoped3A_243 : memref<!tpu.dma_semaphore, #tpu.memory_space<semaphore_mem>>)
        %dma_wait3A = tpu.memref_slice %arg10[%mul3A_240] : memref<10240xf32, #tpu.memory_space<vmem_shared>> -> memref<640xf32, #tpu.memory_space<vmem_shared>>
        %dma_wait3A_246 = tpu.memref_slice %arg10[%mul3A_240] : memref<10240xf32, #tpu.memory_space<vmem_shared>> -> memref<640xf32, #tpu.memory_space<vmem_shared>>
        tpu.wait_dma2 semaphore(%run_scoped3A_243 : memref<!tpu.dma_semaphore, #tpu.memory_space<semaphore_mem>>) src(%dma_wait3A_246 : memref<640xf32, #tpu.memory_space<vmem_shared>>) dst(%arg18 : memref<640xf32, #tpu.memory_space<vmem>>)
        tpu.yield
      }) : () -> ()
      %mul3A_241 = arith.constant 640 : i32
      %mul3A_242 = arith.muli %arg1, %mul3A_241 : i32
      "tpu.region"() ({
        %run_scoped3A_243 = tpu.sem_alloc : memref<!tpu.dma_semaphore, #tpu.memory_space<semaphore_mem>>
        %dma_start3A_244 = tpu.memref_slice %arg8[%mul3A_242] : memref<10240xf32, #tpu.memory_space<hbm>> -> memref<640xf32, #tpu.memory_space<hbm>>
        %dma_start3A_245 = tpu.memref_slice %arg8[%mul3A_242] : memref<10240xf32, #tpu.memory_space<hbm>> -> memref<640xf32, #tpu.memory_space<hbm>>
        tpu.enqueue_dma source(%arg18 : memref<640xf32, #tpu.memory_space<vmem>>) target(%dma_start3A_245 : memref<640xf32, #tpu.memory_space<hbm>>) target_semaphore(%run_scoped3A_243 : memref<!tpu.dma_semaphore, #tpu.memory_space<semaphore_mem>>)
        %dma_wait3A = tpu.memref_slice %arg8[%mul3A_242] : memref<10240xf32, #tpu.memory_space<hbm>> -> memref<640xf32, #tpu.memory_space<hbm>>
        %dma_wait3A_246 = tpu.memref_slice %arg8[%mul3A_242] : memref<10240xf32, #tpu.memory_space<hbm>> -> memref<640xf32, #tpu.memory_space<hbm>>
        tpu.wait_dma2 semaphore(%run_scoped3A_243 : memref<!tpu.dma_semaphore, #tpu.memory_space<semaphore_mem>>) src(%arg18 : memref<640xf32, #tpu.memory_space<vmem>>) dst(%dma_wait3A_246 : memref<640xf32, #tpu.memory_space<hbm>>)
        tpu.yield
      }) : () -> ()
    } else {
    }
    %eq3A_3 = arith.constant 1 : i32
    %eq3A_4 = arith.cmpi eq, %arg0, %eq3A_3 : i32
    %convert_element_type3A_5 = arith.extui %eq3A_4 : i1 to i32
    %cond3A_6 = arith.constant 0 : i32
    %cond3A_7 = arith.cmpi ne, %convert_element_type3A_5, %cond3A_6 : i32
    scf.if %cond3A_7 {
      %scan3A = arith.constant 0 : i32
      %scan3A_8 = arith.constant 0 : i32
      %scan3A_9 = arith.constant 8 : i32
      %scan3A_10 = arith.addi %scan3A_8, %scan3A_9 : i32
      %scan3A_11 = arith.constant 1 : i32
      scf.for %scan3A_47 = %scan3A_8 to %scan3A_10 step %scan3A_11  : i32 {
        %mul3A = arith.constant 640 : i32
        %mul3A_48 = arith.muli %arg1, %mul3A : i32
        %mul3A_49 = arith.constant 80 : i32
        %mul3A_50 = arith.muli %scan3A_47, %mul3A_49 : i32
        %add3A = arith.addi %mul3A_48, %mul3A_50 : i32
        "tpu.region"() ({
          %run_scoped3A_51 = tpu.sem_alloc : memref<!tpu.dma_semaphore, #tpu.memory_space<semaphore_mem>>
          %dma_start3A_52 = arith.constant 0 : i32
          %dma_start3A_53 = arith.constant 0 : i32
          %dma_start3A_54 = tpu.memref_slice %arg11[%dma_start3A_52, %dma_start3A_53] : memref<128x128xf32, #tpu.memory_space<vmem>> -> memref<80x128xf32, #tpu.memory_space<vmem>>
          %dma_start3A_55 = arith.constant 0 : i32
          %dma_start3A_56 = tpu.memref_slice %arg3[%add3A, %dma_start3A_55] : memref<10240x128xf32, #tpu.memory_space<hbm>> -> memref<80x128xf32, #tpu.memory_space<hbm>>
          %dma_start3A_57 = arith.constant 0 : i32
          %dma_start3A_58 = arith.constant 0 : i32
          %dma_start3A_59 = tpu.memref_slice %arg11[%dma_start3A_57, %dma_start3A_58] : memref<128x128xf32, #tpu.memory_space<vmem>> -> memref<80x128xf32, #tpu.memory_space<vmem>>
          %dma_start3A_60 = arith.constant 0 : i32
          %dma_start3A_61 = tpu.memref_slice %arg3[%add3A, %dma_start3A_60] : memref<10240x128xf32, #tpu.memory_space<hbm>> -> memref<80x128xf32, #tpu.memory_space<hbm>>
          tpu.enqueue_dma source(%dma_start3A_61 : memref<80x128xf32, #tpu.memory_space<hbm>>) target(%dma_start3A_59 : memref<80x128xf32, #tpu.memory_space<vmem>>) target_semaphore(%run_scoped3A_51 : memref<!tpu.dma_semaphore, #tpu.memory_space<semaphore_mem>>)
          %dma_wait3A = arith.constant 0 : i32
          %dma_wait3A_62 = arith.constant 0 : i32
          %dma_wait3A_63 = tpu.memref_slice %arg11[%dma_wait3A, %dma_wait3A_62] : memref<128x128xf32, #tpu.memory_space<vmem>> -> memref<80x128xf32, #tpu.memory_space<vmem>>
          %dma_wait3A_64 = arith.constant 0 : i32
          %dma_wait3A_65 = tpu.memref_slice %arg3[%add3A, %dma_wait3A_64] : memref<10240x128xf32, #tpu.memory_space<hbm>> -> memref<80x128xf32, #tpu.memory_space<hbm>>
          %dma_wait3A_66 = arith.constant 0 : i32
          %dma_wait3A_67 = arith.constant 0 : i32
          %dma_wait3A_68 = tpu.memref_slice %arg11[%dma_wait3A_66, %dma_wait3A_67] : memref<128x128xf32, #tpu.memory_space<vmem>> -> memref<80x128xf32, #tpu.memory_space<vmem>>
          %dma_wait3A_69 = arith.constant 0 : i32
          %dma_wait3A_70 = tpu.memref_slice %arg3[%add3A, %dma_wait3A_69] : memref<10240x128xf32, #tpu.memory_space<hbm>> -> memref<80x128xf32, #tpu.memory_space<hbm>>
          tpu.wait_dma2 semaphore(%run_scoped3A_51 : memref<!tpu.dma_semaphore, #tpu.memory_space<semaphore_mem>>) src(%dma_wait3A_70 : memref<80x128xf32, #tpu.memory_space<hbm>>) dst(%dma_wait3A_68 : memref<80x128xf32, #tpu.memory_space<vmem>>)
          tpu.yield
        }) : () -> ()
        "tpu.region"() ({
          %run_scoped3A_51 = tpu.sem_alloc : memref<!tpu.dma_semaphore, #tpu.memory_space<semaphore_mem>>
          %dma_start3A_52 = arith.constant 0 : i32
          %dma_start3A_53 = arith.constant 0 : i32
          %dma_start3A_54 = tpu.memref_slice %arg11[%dma_start3A_52, %dma_start3A_53] : memref<128x128xf32, #tpu.memory_space<vmem>> -> memref<80x128xf32, #tpu.memory_space<vmem>>
          %dma_start3A_55 = arith.constant 0 : i32
          %dma_start3A_56 = tpu.memref_slice %arg9[%add3A, %dma_start3A_55] : memref<10240x128xf32, #tpu.memory_space<vmem_shared>> -> memref<80x128xf32, #tpu.memory_space<vmem_shared>>
          %dma_start3A_57 = arith.constant 0 : i32
          %dma_start3A_58 = tpu.memref_slice %arg9[%add3A, %dma_start3A_57] : memref<10240x128xf32, #tpu.memory_space<vmem_shared>> -> memref<80x128xf32, #tpu.memory_space<vmem_shared>>
          %dma_start3A_59 = arith.constant 0 : i32
          %dma_start3A_60 = arith.constant 0 : i32
          %dma_start3A_61 = tpu.memref_slice %arg11[%dma_start3A_59, %dma_start3A_60] : memref<128x128xf32, #tpu.memory_space<vmem>> -> memref<80x128xf32, #tpu.memory_space<vmem>>
          tpu.enqueue_dma source(%dma_start3A_61 : memref<80x128xf32, #tpu.memory_space<vmem>>) target(%dma_start3A_58 : memref<80x128xf32, #tpu.memory_space<vmem_shared>>) target_semaphore(%run_scoped3A_51 : memref<!tpu.dma_semaphore, #tpu.memory_space<semaphore_mem>>)
          %dma_wait3A = arith.constant 0 : i32
          %dma_wait3A_62 = arith.constant 0 : i32
          %dma_wait3A_63 = tpu.memref_slice %arg11[%dma_wait3A, %dma_wait3A_62] : memref<128x128xf32, #tpu.memory_space<vmem>> -> memref<80x128xf32, #tpu.memory_space<vmem>>
          %dma_wait3A_64 = arith.constant 0 : i32
          %dma_wait3A_65 = tpu.memref_slice %arg9[%add3A, %dma_wait3A_64] : memref<10240x128xf32, #tpu.memory_space<vmem_shared>> -> memref<80x128xf32, #tpu.memory_space<vmem_shared>>
          %dma_wait3A_66 = arith.constant 0 : i32
          %dma_wait3A_67 = tpu.memref_slice %arg9[%add3A, %dma_wait3A_66] : memref<10240x128xf32, #tpu.memory_space<vmem_shared>> -> memref<80x128xf32, #tpu.memory_space<vmem_shared>>
          %dma_wait3A_68 = arith.constant 0 : i32
          %dma_wait3A_69 = arith.constant 0 : i32
          %dma_wait3A_70 = tpu.memref_slice %arg11[%dma_wait3A_68, %dma_wait3A_69] : memref<128x128xf32, #tpu.memory_space<vmem>> -> memref<80x128xf32, #tpu.memory_space<vmem>>
          tpu.wait_dma2 semaphore(%run_scoped3A_51 : memref<!tpu.dma_semaphore, #tpu.memory_space<semaphore_mem>>) src(%dma_wait3A_70 : memref<80x128xf32, #tpu.memory_space<vmem>>) dst(%dma_wait3A_67 : memref<80x128xf32, #tpu.memory_space<vmem_shared>>)
          tpu.yield
        }) : () -> ()
      }
      %scan3A_12 = arith.constant 8 : i32
      %barrier3A = arith.constant 0 : index
      tpu.barrier barrier_id(%barrier3A)
      %run_scoped3A = arith.constant 0 : i32
      %run_scoped3A_13 = arith.constant 0 : i32
      "tpu.region"() ({
        %run_scoped3A_47 = tpu.sem_alloc : memref<!tpu.dma_semaphore, #tpu.memory_space<semaphore_mem>>
        %dma_start3A_48 = arith.constant 0 : i32
        %dma_start3A_49 = tpu.memref_slice %arg4[%arg1, %run_scoped3A, %run_scoped3A_13, %dma_start3A_48] : memref<16x80x1x128xi32, #tpu.memory_space<hbm>> -> memref<1x1x1x128xi32, #tpu.memory_space<hbm>>
        %dma_start3A_50 = tpu.memref_squeeze %dma_start3A_49 : memref<1x1x1x128xi32, #tpu.memory_space<hbm>> -> memref<128xi32, #tpu.memory_space<hbm>>
        %dma_start3A_51 = arith.constant 0 : i32
        %dma_start3A_52 = tpu.memref_slice %arg4[%arg1, %run_scoped3A, %run_scoped3A_13, %dma_start3A_51] : memref<16x80x1x128xi32, #tpu.memory_space<hbm>> -> memref<1x1x1x128xi32, #tpu.memory_space<hbm>>
        %dma_start3A_53 = tpu.memref_squeeze %dma_start3A_52 : memref<1x1x1x128xi32, #tpu.memory_space<hbm>> -> memref<128xi32, #tpu.memory_space<hbm>>
        tpu.enqueue_dma source(%dma_start3A_53 : memref<128xi32, #tpu.memory_space<hbm>>) target(%arg13 : memref<128xi32, #tpu.memory_space<vmem>>) target_semaphore(%run_scoped3A_47 : memref<!tpu.dma_semaphore, #tpu.memory_space<semaphore_mem>>)
        %dma_wait3A = arith.constant 0 : i32
        %dma_wait3A_54 = tpu.memref_slice %arg4[%arg1, %run_scoped3A, %run_scoped3A_13, %dma_wait3A] : memref<16x80x1x128xi32, #tpu.memory_space<hbm>> -> memref<1x1x1x128xi32, #tpu.memory_space<hbm>>
        %dma_wait3A_55 = tpu.memref_squeeze %dma_wait3A_54 : memref<1x1x1x128xi32, #tpu.memory_space<hbm>> -> memref<128xi32, #tpu.memory_space<hbm>>
        %dma_wait3A_56 = arith.constant 0 : i32
        %dma_wait3A_57 = tpu.memref_slice %arg4[%arg1, %run_scoped3A, %run_scoped3A_13, %dma_wait3A_56] : memref<16x80x1x128xi32, #tpu.memory_space<hbm>> -> memref<1x1x1x128xi32, #tpu.memory_space<hbm>>
        %dma_wait3A_58 = tpu.memref_squeeze %dma_wait3A_57 : memref<1x1x1x128xi32, #tpu.memory_space<hbm>> -> memref<128xi32, #tpu.memory_space<hbm>>
        tpu.wait_dma2 semaphore(%run_scoped3A_47 : memref<!tpu.dma_semaphore, #tpu.memory_space<semaphore_mem>>) src(%dma_wait3A_58 : memref<128xi32, #tpu.memory_space<hbm>>) dst(%arg13 : memref<128xi32, #tpu.memory_space<vmem>>)
        tpu.yield
      }) : () -> ()
      %run_scoped3A_14 = arith.constant 0 : i32
      %run_scoped3A_15 = arith.constant 0 : i32
      "tpu.region"() ({
        %run_scoped3A_47 = tpu.sem_alloc : memref<!tpu.dma_semaphore, #tpu.memory_space<semaphore_mem>>
        %dma_start3A_48 = arith.constant 0 : i32
        %dma_start3A_49 = tpu.memref_slice %arg5[%arg1, %run_scoped3A_14, %run_scoped3A_15, %dma_start3A_48] : memref<16x80x1x128xi32, #tpu.memory_space<hbm>> -> memref<1x1x1x128xi32, #tpu.memory_space<hbm>>
        %dma_start3A_50 = tpu.memref_squeeze %dma_start3A_49 : memref<1x1x1x128xi32, #tpu.memory_space<hbm>> -> memref<128xi32, #tpu.memory_space<hbm>>
        %dma_start3A_51 = arith.constant 0 : i32
        %dma_start3A_52 = tpu.memref_slice %arg5[%arg1, %run_scoped3A_14, %run_scoped3A_15, %dma_start3A_51] : memref<16x80x1x128xi32, #tpu.memory_space<hbm>> -> memref<1x1x1x128xi32, #tpu.memory_space<hbm>>
        %dma_start3A_53 = tpu.memref_squeeze %dma_start3A_52 : memref<1x1x1x128xi32, #tpu.memory_space<hbm>> -> memref<128xi32, #tpu.memory_space<hbm>>
        tpu.enqueue_dma source(%dma_start3A_53 : memref<128xi32, #tpu.memory_space<hbm>>) target(%arg15 : memref<128xi32, #tpu.memory_space<vmem>>) target_semaphore(%run_scoped3A_47 : memref<!tpu.dma_semaphore, #tpu.memory_space<semaphore_mem>>)
        %dma_wait3A = arith.constant 0 : i32
        %dma_wait3A_54 = tpu.memref_slice %arg5[%arg1, %run_scoped3A_14, %run_scoped3A_15, %dma_wait3A] : memref<16x80x1x128xi32, #tpu.memory_space<hbm>> -> memref<1x1x1x128xi32, #tpu.memory_space<hbm>>
        %dma_wait3A_55 = tpu.memref_squeeze %dma_wait3A_54 : memref<1x1x1x128xi32, #tpu.memory_space<hbm>> -> memref<128xi32, #tpu.memory_space<hbm>>
        %dma_wait3A_56 = arith.constant 0 : i32
        %dma_wait3A_57 = tpu.memref_slice %arg5[%arg1, %run_scoped3A_14, %run_scoped3A_15, %dma_wait3A_56] : memref<16x80x1x128xi32, #tpu.memory_space<hbm>> -> memref<1x1x1x128xi32, #tpu.memory_space<hbm>>
        %dma_wait3A_58 = tpu.memref_squeeze %dma_wait3A_57 : memref<1x1x1x128xi32, #tpu.memory_space<hbm>> -> memref<128xi32, #tpu.memory_space<hbm>>
        tpu.wait_dma2 semaphore(%run_scoped3A_47 : memref<!tpu.dma_semaphore, #tpu.memory_space<semaphore_mem>>) src(%dma_wait3A_58 : memref<128xi32, #tpu.memory_space<hbm>>) dst(%arg15 : memref<128xi32, #tpu.memory_space<vmem>>)
        tpu.yield
      }) : () -> ()
      %dma_start3A = arith.constant 0 : i32
      %dma_start3A_16 = arith.constant 0 : i32
      %dma_start3A_17 = tpu.memref_slice %arg3[%dma_start3A, %dma_start3A_16] : memref<10240x128xf32, #tpu.memory_space<hbm>> -> memref<10240x128xf32, #tpu.memory_space<hbm>>
      tpu.enqueue_indirect_dma source(%dma_start3A_17 : memref<10240x128xf32, #tpu.memory_space<hbm>>) target(%arg11 : memref<128x128xf32, #tpu.memory_space<vmem>>) offsets(%arg13 : memref<128xi32, #tpu.memory_space<vmem>>) semaphore(%arg19 : memref<!tpu.dma_semaphore, #tpu.memory_space<semaphore_mem>>)
      %dma_start3A_18 = arith.constant 1 : i32
      %dma_start3A_19 = arith.constant 0 : i32
      %dma_start3A_20 = arith.constant 0 : i32
      %dma_start3A_21 = tpu.memref_slice %arg4[%arg1, %dma_start3A_18, %dma_start3A_19, %dma_start3A_20] : memref<16x80x1x128xi32, #tpu.memory_space<hbm>> -> memref<1x1x1x128xi32, #tpu.memory_space<hbm>>
      %dma_start3A_22 = tpu.memref_squeeze %dma_start3A_21 : memref<1x1x1x128xi32, #tpu.memory_space<hbm>> -> memref<128xi32, #tpu.memory_space<hbm>>
      %dma_start3A_23 = arith.constant 0 : i32
      %dma_start3A_24 = tpu.memref_slice %arg4[%arg1, %dma_start3A_18, %dma_start3A_19, %dma_start3A_23] : memref<16x80x1x128xi32, #tpu.memory_space<hbm>> -> memref<1x1x1x128xi32, #tpu.memory_space<hbm>>
      %dma_start3A_25 = tpu.memref_squeeze %dma_start3A_24 : memref<1x1x1x128xi32, #tpu.memory_space<hbm>> -> memref<128xi32, #tpu.memory_space<hbm>>
      tpu.enqueue_dma source(%dma_start3A_25 : memref<128xi32, #tpu.memory_space<hbm>>) target(%arg14 : memref<128xi32, #tpu.memory_space<vmem>>) target_semaphore(%arg22 : memref<!tpu.dma_semaphore, #tpu.memory_space<semaphore_mem>>)
      %dma_start3A_26 = arith.constant 1 : i32
      %dma_start3A_27 = arith.constant 0 : i32
      %dma_start3A_28 = arith.constant 0 : i32
      %dma_start3A_29 = tpu.memref_slice %arg5[%arg1, %dma_start3A_26, %dma_start3A_27, %dma_start3A_28] : memref<16x80x1x128xi32, #tpu.memory_space<hbm>> -> memref<1x1x1x128xi32, #tpu.memory_space<hbm>>
      %dma_start3A_30 = tpu.memref_squeeze %dma_start3A_29 : memref<1x1x1x128xi32, #tpu.memory_space<hbm>> -> memref<128xi32, #tpu.memory_space<hbm>>
      %dma_start3A_31 = arith.constant 0 : i32
      %dma_start3A_32 = tpu.memref_slice %arg5[%arg1, %dma_start3A_26, %dma_start3A_27, %dma_start3A_31] : memref<16x80x1x128xi32, #tpu.memory_space<hbm>> -> memref<1x1x1x128xi32, #tpu.memory_space<hbm>>
      %dma_start3A_33 = tpu.memref_squeeze %dma_start3A_32 : memref<1x1x1x128xi32, #tpu.memory_space<hbm>> -> memref<128xi32, #tpu.memory_space<hbm>>
      tpu.enqueue_dma source(%dma_start3A_33 : memref<128xi32, #tpu.memory_space<hbm>>) target(%arg16 : memref<128xi32, #tpu.memory_space<vmem>>) target_semaphore(%arg22 : memref<!tpu.dma_semaphore, #tpu.memory_space<semaphore_mem>>)
      %scan3A_34 = arith.constant 0 : i32
      %scan3A_35 = arith.constant 0 : i32
      %scan3A_36 = arith.constant 40 : i32
      %scan3A_37 = arith.addi %scan3A_35, %scan3A_36 : i32
      %scan3A_38 = arith.constant 1 : i32
      scf.for %scan3A_47 = %scan3A_35 to %scan3A_37 step %scan3A_38  : i32 {
        %mul3A = arith.constant 2 : i32
        %mul3A_48 = arith.muli %mul3A, %scan3A_47 : i32
        %add3A = arith.constant 1 : i32
        %add3A_49 = arith.addi %mul3A_48, %add3A : i32
        %dma_wait3A = arith.constant 0 : i32
        %dma_wait3A_50 = arith.constant 0 : i32
        %dma_wait3A_51 = tpu.memref_slice %arg4[%arg1, %add3A_49, %dma_wait3A, %dma_wait3A_50] : memref<16x80x1x128xi32, #tpu.memory_space<hbm>> -> memref<1x1x1x128xi32, #tpu.memory_space<hbm>>
        %dma_wait3A_52 = tpu.memref_squeeze %dma_wait3A_51 : memref<1x1x1x128xi32, #tpu.memory_space<hbm>> -> memref<128xi32, #tpu.memory_space<hbm>>
        %dma_wait3A_53 = arith.constant 0 : i32
        %dma_wait3A_54 = tpu.memref_slice %arg4[%arg1, %add3A_49, %dma_wait3A, %dma_wait3A_53] : memref<16x80x1x128xi32, #tpu.memory_space<hbm>> -> memref<1x1x1x128xi32, #tpu.memory_space<hbm>>
        %dma_wait3A_55 = tpu.memref_squeeze %dma_wait3A_54 : memref<1x1x1x128xi32, #tpu.memory_space<hbm>> -> memref<128xi32, #tpu.memory_space<hbm>>
        tpu.wait_dma2 semaphore(%arg22 : memref<!tpu.dma_semaphore, #tpu.memory_space<semaphore_mem>>) src(%dma_wait3A_55 : memref<128xi32, #tpu.memory_space<hbm>>) dst(%arg14 : memref<128xi32, #tpu.memory_space<vmem>>)
        %dma_wait3A_56 = arith.constant 0 : i32
        %dma_wait3A_57 = arith.constant 0 : i32
        %dma_wait3A_58 = tpu.memref_slice %arg5[%arg1, %add3A_49, %dma_wait3A_56, %dma_wait3A_57] : memref<16x80x1x128xi32, #tpu.memory_space<hbm>> -> memref<1x1x1x128xi32, #tpu.memory_space<hbm>>
        %dma_wait3A_59 = tpu.memref_squeeze %dma_wait3A_58 : memref<1x1x1x128xi32, #tpu.memory_space<hbm>> -> memref<128xi32, #tpu.memory_space<hbm>>
        %dma_wait3A_60 = arith.constant 0 : i32
        %dma_wait3A_61 = tpu.memref_slice %arg5[%arg1, %add3A_49, %dma_wait3A_56, %dma_wait3A_60] : memref<16x80x1x128xi32, #tpu.memory_space<hbm>> -> memref<1x1x1x128xi32, #tpu.memory_space<hbm>>
        %dma_wait3A_62 = tpu.memref_squeeze %dma_wait3A_61 : memref<1x1x1x128xi32, #tpu.memory_space<hbm>> -> memref<128xi32, #tpu.memory_space<hbm>>
        tpu.wait_dma2 semaphore(%arg22 : memref<!tpu.dma_semaphore, #tpu.memory_space<semaphore_mem>>) src(%dma_wait3A_62 : memref<128xi32, #tpu.memory_space<hbm>>) dst(%arg16 : memref<128xi32, #tpu.memory_space<vmem>>)
        %dma_start3A_63 = arith.constant 0 : i32
        %dma_start3A_64 = arith.constant 0 : i32
        %dma_start3A_65 = tpu.memref_slice %arg3[%dma_start3A_63, %dma_start3A_64] : memref<10240x128xf32, #tpu.memory_space<hbm>> -> memref<10240x128xf32, #tpu.memory_space<hbm>>
        tpu.enqueue_indirect_dma source(%dma_start3A_65 : memref<10240x128xf32, #tpu.memory_space<hbm>>) target(%arg12 : memref<128x128xf32, #tpu.memory_space<vmem>>) offsets(%arg14 : memref<128xi32, #tpu.memory_space<vmem>>) semaphore(%arg20 : memref<!tpu.dma_semaphore, #tpu.memory_space<semaphore_mem>>)
        %dma_wait3A_66 = arith.constant 0 : i32
        %dma_wait3A_67 = arith.constant 0 : i32
        %dma_wait3A_68 = tpu.memref_slice %arg3[%dma_wait3A_66, %dma_wait3A_67] : memref<10240x128xf32, #tpu.memory_space<hbm>> -> memref<10240x128xf32, #tpu.memory_space<hbm>>
        tpu.wait_indirect_dma semaphore(%arg19 : memref<!tpu.dma_semaphore, #tpu.memory_space<semaphore_mem>>) src(%dma_wait3A_68 : memref<10240x128xf32, #tpu.memory_space<hbm>>) dst(%arg11 : memref<128x128xf32, #tpu.memory_space<vmem>>)
        "tpu.region"() ({
          %run_scoped3A_85 = tpu.sem_alloc : memref<!tpu.dma_semaphore, #tpu.memory_space<semaphore_mem>>
          %dma_start3A_86 = arith.constant 0 : i32
          %dma_start3A_87 = arith.constant 0 : i32
          %dma_start3A_88 = tpu.memref_slice %arg9[%dma_start3A_86, %dma_start3A_87] : memref<10240x128xf32, #tpu.memory_space<vmem_shared>> -> memref<10240x128xf32, #tpu.memory_space<vmem_shared>>
          tpu.enqueue_indirect_dma source(%arg11 : memref<128x128xf32, #tpu.memory_space<vmem>>) target(%dma_start3A_88 : memref<10240x128xf32, #tpu.memory_space<vmem_shared>>) offsets(%arg15 : memref<128xi32, #tpu.memory_space<vmem>>) semaphore(%run_scoped3A_85 : memref<!tpu.dma_semaphore, #tpu.memory_space<semaphore_mem>>) {add = true}
          %dma_wait3A_89 = arith.constant 0 : i32
          %dma_wait3A_90 = arith.constant 0 : i32
          %dma_wait3A_91 = tpu.memref_slice %arg9[%dma_wait3A_89, %dma_wait3A_90] : memref<10240x128xf32, #tpu.memory_space<vmem_shared>> -> memref<10240x128xf32, #tpu.memory_space<vmem_shared>>
          tpu.wait_indirect_dma semaphore(%run_scoped3A_85 : memref<!tpu.dma_semaphore, #tpu.memory_space<semaphore_mem>>) src(%arg11 : memref<128x128xf32, #tpu.memory_space<vmem>>) dst(%dma_wait3A_91 : memref<10240x128xf32, #tpu.memory_space<vmem_shared>>)
          tpu.yield
        }) : () -> ()
        %add3A_69 = arith.constant 1 : i32
        %add3A_70 = arith.addi %scan3A_47, %add3A_69 : i32
        %lt3A = arith.constant 40 : i32
        %lt3A_71 = arith.cmpi slt, %add3A_70, %lt3A : i32
        %convert_element_type3A_72 = arith.extui %lt3A_71 : i1 to i32
        %cond3A_73 = arith.constant 0 : i32
        %cond3A_74 = arith.cmpi ne, %convert_element_type3A_72, %cond3A_73 : i32
        scf.if %cond3A_74 {
          %add3A_85 = arith.constant 2 : i32
          %add3A_86 = arith.addi %mul3A_48, %add3A_85 : i32
          %dma_start3A_87 = arith.constant 0 : i32
          %dma_start3A_88 = arith.constant 0 : i32
          %dma_start3A_89 = tpu.memref_slice %arg4[%arg1, %add3A_86, %dma_start3A_87, %dma_start3A_88] : memref<16x80x1x128xi32, #tpu.memory_space<hbm>> -> memref<1x1x1x128xi32, #tpu.memory_space<hbm>>
          %dma_start3A_90 = tpu.memref_squeeze %dma_start3A_89 : memref<1x1x1x128xi32, #tpu.memory_space<hbm>> -> memref<128xi32, #tpu.memory_space<hbm>>
          %dma_start3A_91 = arith.constant 0 : i32
          %dma_start3A_92 = tpu.memref_slice %arg4[%arg1, %add3A_86, %dma_start3A_87, %dma_start3A_91] : memref<16x80x1x128xi32, #tpu.memory_space<hbm>> -> memref<1x1x1x128xi32, #tpu.memory_space<hbm>>
          %dma_start3A_93 = tpu.memref_squeeze %dma_start3A_92 : memref<1x1x1x128xi32, #tpu.memory_space<hbm>> -> memref<128xi32, #tpu.memory_space<hbm>>
          tpu.enqueue_dma source(%dma_start3A_93 : memref<128xi32, #tpu.memory_space<hbm>>) target(%arg13 : memref<128xi32, #tpu.memory_space<vmem>>) target_semaphore(%arg21 : memref<!tpu.dma_semaphore, #tpu.memory_space<semaphore_mem>>)
          %dma_start3A_94 = arith.constant 0 : i32
          %dma_start3A_95 = arith.constant 0 : i32
          %dma_start3A_96 = tpu.memref_slice %arg5[%arg1, %add3A_86, %dma_start3A_94, %dma_start3A_95] : memref<16x80x1x128xi32, #tpu.memory_space<hbm>> -> memref<1x1x1x128xi32, #tpu.memory_space<hbm>>
          %dma_start3A_97 = tpu.memref_squeeze %dma_start3A_96 : memref<1x1x1x128xi32, #tpu.memory_space<hbm>> -> memref<128xi32, #tpu.memory_space<hbm>>
          %dma_start3A_98 = arith.constant 0 : i32
          %dma_start3A_99 = tpu.memref_slice %arg5[%arg1, %add3A_86, %dma_start3A_94, %dma_start3A_98] : memref<16x80x1x128xi32, #tpu.memory_space<hbm>> -> memref<1x1x1x128xi32, #tpu.memory_space<hbm>>
          %dma_start3A_100 = tpu.memref_squeeze %dma_start3A_99 : memref<1x1x1x128xi32, #tpu.memory_space<hbm>> -> memref<128xi32, #tpu.memory_space<hbm>>
          tpu.enqueue_dma source(%dma_start3A_100 : memref<128xi32, #tpu.memory_space<hbm>>) target(%arg15 : memref<128xi32, #tpu.memory_space<vmem>>) target_semaphore(%arg21 : memref<!tpu.dma_semaphore, #tpu.memory_space<semaphore_mem>>)
        } else {
        }
        %dma_wait3A_75 = arith.constant 0 : i32
        %dma_wait3A_76 = arith.constant 0 : i32
        %dma_wait3A_77 = tpu.memref_slice %arg3[%dma_wait3A_75, %dma_wait3A_76] : memref<10240x128xf32, #tpu.memory_space<hbm>> -> memref<10240x128xf32, #tpu.memory_space<hbm>>
        tpu.wait_indirect_dma semaphore(%arg20 : memref<!tpu.dma_semaphore, #tpu.memory_space<semaphore_mem>>) src(%dma_wait3A_77 : memref<10240x128xf32, #tpu.memory_space<hbm>>) dst(%arg12 : memref<128x128xf32, #tpu.memory_space<vmem>>)
        "tpu.region"() ({
          %run_scoped3A_85 = tpu.sem_alloc : memref<!tpu.dma_semaphore, #tpu.memory_space<semaphore_mem>>
          %dma_start3A_86 = arith.constant 0 : i32
          %dma_start3A_87 = arith.constant 0 : i32
          %dma_start3A_88 = tpu.memref_slice %arg9[%dma_start3A_86, %dma_start3A_87] : memref<10240x128xf32, #tpu.memory_space<vmem_shared>> -> memref<10240x128xf32, #tpu.memory_space<vmem_shared>>
          tpu.enqueue_indirect_dma source(%arg12 : memref<128x128xf32, #tpu.memory_space<vmem>>) target(%dma_start3A_88 : memref<10240x128xf32, #tpu.memory_space<vmem_shared>>) offsets(%arg16 : memref<128xi32, #tpu.memory_space<vmem>>) semaphore(%run_scoped3A_85 : memref<!tpu.dma_semaphore, #tpu.memory_space<semaphore_mem>>) {add = true}
          %dma_wait3A_89 = arith.constant 0 : i32
          %dma_wait3A_90 = arith.constant 0 : i32
          %dma_wait3A_91 = tpu.memref_slice %arg9[%dma_wait3A_89, %dma_wait3A_90] : memref<10240x128xf32, #tpu.memory_space<vmem_shared>> -> memref<10240x128xf32, #tpu.memory_space<vmem_shared>>
          tpu.wait_indirect_dma semaphore(%run_scoped3A_85 : memref<!tpu.dma_semaphore, #tpu.memory_space<semaphore_mem>>) src(%arg12 : memref<128x128xf32, #tpu.memory_space<vmem>>) dst(%dma_wait3A_91 : memref<10240x128xf32, #tpu.memory_space<vmem_shared>>)
          tpu.yield
        }) : () -> ()
        %add3A_78 = arith.constant 1 : i32
        %add3A_79 = arith.addi %scan3A_47, %add3A_78 : i32
        %lt3A_80 = arith.constant 40 : i32
        %lt3A_81 = arith.cmpi slt, %add3A_79, %lt3A_80 : i32
        %convert_element_type3A_82 = arith.extui %lt3A_81 : i1 to i32
        %cond3A_83 = arith.constant 0 : i32
        %cond3A_84 = arith.cmpi ne, %convert_element_type3A_82, %cond3A_83 : i32
        scf.if %cond3A_84 {
          %add3A_85 = arith.constant 2 : i32
          %add3A_86 = arith.addi %add3A_49, %add3A_85 : i32
          %dma_start3A_87 = arith.constant 0 : i32
          %dma_start3A_88 = arith.constant 0 : i32
          %dma_start3A_89 = tpu.memref_slice %arg4[%arg1, %add3A_86, %dma_start3A_87, %dma_start3A_88] : memref<16x80x1x128xi32, #tpu.memory_space<hbm>> -> memref<1x1x1x128xi32, #tpu.memory_space<hbm>>
          %dma_start3A_90 = tpu.memref_squeeze %dma_start3A_89 : memref<1x1x1x128xi32, #tpu.memory_space<hbm>> -> memref<128xi32, #tpu.memory_space<hbm>>
          %dma_start3A_91 = arith.constant 0 : i32
          %dma_start3A_92 = tpu.memref_slice %arg4[%arg1, %add3A_86, %dma_start3A_87, %dma_start3A_91] : memref<16x80x1x128xi32, #tpu.memory_space<hbm>> -> memref<1x1x1x128xi32, #tpu.memory_space<hbm>>
          %dma_start3A_93 = tpu.memref_squeeze %dma_start3A_92 : memref<1x1x1x128xi32, #tpu.memory_space<hbm>> -> memref<128xi32, #tpu.memory_space<hbm>>
          tpu.enqueue_dma source(%dma_start3A_93 : memref<128xi32, #tpu.memory_space<hbm>>) target(%arg14 : memref<128xi32, #tpu.memory_space<vmem>>) target_semaphore(%arg22 : memref<!tpu.dma_semaphore, #tpu.memory_space<semaphore_mem>>)
          %dma_start3A_94 = arith.constant 0 : i32
          %dma_start3A_95 = arith.constant 0 : i32
          %dma_start3A_96 = tpu.memref_slice %arg5[%arg1, %add3A_86, %dma_start3A_94, %dma_start3A_95] : memref<16x80x1x128xi32, #tpu.memory_space<hbm>> -> memref<1x1x1x128xi32, #tpu.memory_space<hbm>>
          %dma_start3A_97 = tpu.memref_squeeze %dma_start3A_96 : memref<1x1x1x128xi32, #tpu.memory_space<hbm>> -> memref<128xi32, #tpu.memory_space<hbm>>
          %dma_start3A_98 = arith.constant 0 : i32
          %dma_start3A_99 = tpu.memref_slice %arg5[%arg1, %add3A_86, %dma_start3A_94, %dma_start3A_98] : memref<16x80x1x128xi32, #tpu.memory_space<hbm>> -> memref<1x1x1x128xi32, #tpu.memory_space<hbm>>
          %dma_start3A_100 = tpu.memref_squeeze %dma_start3A_99 : memref<1x1x1x128xi32, #tpu.memory_space<hbm>> -> memref<128xi32, #tpu.memory_space<hbm>>
          tpu.enqueue_dma source(%dma_start3A_100 : memref<128xi32, #tpu.memory_space<hbm>>) target(%arg16 : memref<128xi32, #tpu.memory_space<vmem>>) target_semaphore(%arg22 : memref<!tpu.dma_semaphore, #tpu.memory_space<semaphore_mem>>)
          %add3A_101 = arith.constant 2 : i32
          %add3A_102 = arith.addi %mul3A_48, %add3A_101 : i32
          %dma_wait3A_103 = arith.constant 0 : i32
          %dma_wait3A_104 = arith.constant 0 : i32
          %dma_wait3A_105 = tpu.memref_slice %arg4[%arg1, %add3A_102, %dma_wait3A_103, %dma_wait3A_104] : memref<16x80x1x128xi32, #tpu.memory_space<hbm>> -> memref<1x1x1x128xi32, #tpu.memory_space<hbm>>
          %dma_wait3A_106 = tpu.memref_squeeze %dma_wait3A_105 : memref<1x1x1x128xi32, #tpu.memory_space<hbm>> -> memref<128xi32, #tpu.memory_space<hbm>>
          %dma_wait3A_107 = arith.constant 0 : i32
          %dma_wait3A_108 = tpu.memref_slice %arg4[%arg1, %add3A_102, %dma_wait3A_103, %dma_wait3A_107] : memref<16x80x1x128xi32, #tpu.memory_space<hbm>> -> memref<1x1x1x128xi32, #tpu.memory_space<hbm>>
          %dma_wait3A_109 = tpu.memref_squeeze %dma_wait3A_108 : memref<1x1x1x128xi32, #tpu.memory_space<hbm>> -> memref<128xi32, #tpu.memory_space<hbm>>
          tpu.wait_dma2 semaphore(%arg21 : memref<!tpu.dma_semaphore, #tpu.memory_space<semaphore_mem>>) src(%dma_wait3A_109 : memref<128xi32, #tpu.memory_space<hbm>>) dst(%arg13 : memref<128xi32, #tpu.memory_space<vmem>>)
          %dma_wait3A_110 = arith.constant 0 : i32
          %dma_wait3A_111 = arith.constant 0 : i32
          %dma_wait3A_112 = tpu.memref_slice %arg5[%arg1, %add3A_102, %dma_wait3A_110, %dma_wait3A_111] : memref<16x80x1x128xi32, #tpu.memory_space<hbm>> -> memref<1x1x1x128xi32, #tpu.memory_space<hbm>>
          %dma_wait3A_113 = tpu.memref_squeeze %dma_wait3A_112 : memref<1x1x1x128xi32, #tpu.memory_space<hbm>> -> memref<128xi32, #tpu.memory_space<hbm>>
          %dma_wait3A_114 = arith.constant 0 : i32
          %dma_wait3A_115 = tpu.memref_slice %arg5[%arg1, %add3A_102, %dma_wait3A_110, %dma_wait3A_114] : memref<16x80x1x128xi32, #tpu.memory_space<hbm>> -> memref<1x1x1x128xi32, #tpu.memory_space<hbm>>
          %dma_wait3A_116 = tpu.memref_squeeze %dma_wait3A_115 : memref<1x1x1x128xi32, #tpu.memory_space<hbm>> -> memref<128xi32, #tpu.memory_space<hbm>>
          tpu.wait_dma2 semaphore(%arg21 : memref<!tpu.dma_semaphore, #tpu.memory_space<semaphore_mem>>) src(%dma_wait3A_116 : memref<128xi32, #tpu.memory_space<hbm>>) dst(%arg15 : memref<128xi32, #tpu.memory_space<vmem>>)
          %dma_start3A_117 = arith.constant 0 : i32
          %dma_start3A_118 = arith.constant 0 : i32
          %dma_start3A_119 = tpu.memref_slice %arg3[%dma_start3A_117, %dma_start3A_118] : memref<10240x128xf32, #tpu.memory_space<hbm>> -> memref<10240x128xf32, #tpu.memory_space<hbm>>
          tpu.enqueue_indirect_dma source(%dma_start3A_119 : memref<10240x128xf32, #tpu.memory_space<hbm>>) target(%arg11 : memref<128x128xf32, #tpu.memory_space<vmem>>) offsets(%arg13 : memref<128xi32, #tpu.memory_space<vmem>>) semaphore(%arg19 : memref<!tpu.dma_semaphore, #tpu.memory_space<semaphore_mem>>)
        } else {
        }
      }
      %scan3A_39 = arith.constant 40 : i32
      %barrier3A_40 = arith.constant 0 : index
      tpu.barrier barrier_id(%barrier3A_40)
      %scan3A_41 = arith.constant 0 : i32
      %scan3A_42 = arith.constant 0 : i32
      %scan3A_43 = arith.constant 8 : i32
      %scan3A_44 = arith.addi %scan3A_42, %scan3A_43 : i32
      %scan3A_45 = arith.constant 1 : i32
      scf.for %scan3A_47 = %scan3A_42 to %scan3A_44 step %scan3A_45  : i32 {
        %mul3A = arith.constant 640 : i32
        %mul3A_48 = arith.muli %arg1, %mul3A : i32
        %mul3A_49 = arith.constant 80 : i32
        %mul3A_50 = arith.muli %scan3A_47, %mul3A_49 : i32
        %add3A = arith.addi %mul3A_48, %mul3A_50 : i32
        "tpu.region"() ({
          %run_scoped3A_51 = tpu.sem_alloc : memref<!tpu.dma_semaphore, #tpu.memory_space<semaphore_mem>>
          %dma_start3A_52 = arith.constant 0 : i32
          %dma_start3A_53 = arith.constant 0 : i32
          %dma_start3A_54 = tpu.memref_slice %arg11[%dma_start3A_52, %dma_start3A_53] : memref<128x128xf32, #tpu.memory_space<vmem>> -> memref<80x128xf32, #tpu.memory_space<vmem>>
          %dma_start3A_55 = arith.constant 0 : i32
          %dma_start3A_56 = tpu.memref_slice %arg9[%add3A, %dma_start3A_55] : memref<10240x128xf32, #tpu.memory_space<vmem_shared>> -> memref<80x128xf32, #tpu.memory_space<vmem_shared>>
          %dma_start3A_57 = arith.constant 0 : i32
          %dma_start3A_58 = arith.constant 0 : i32
          %dma_start3A_59 = tpu.memref_slice %arg11[%dma_start3A_57, %dma_start3A_58] : memref<128x128xf32, #tpu.memory_space<vmem>> -> memref<80x128xf32, #tpu.memory_space<vmem>>
          %dma_start3A_60 = arith.constant 0 : i32
          %dma_start3A_61 = tpu.memref_slice %arg9[%add3A, %dma_start3A_60] : memref<10240x128xf32, #tpu.memory_space<vmem_shared>> -> memref<80x128xf32, #tpu.memory_space<vmem_shared>>
          tpu.enqueue_dma source(%dma_start3A_61 : memref<80x128xf32, #tpu.memory_space<vmem_shared>>) target(%dma_start3A_59 : memref<80x128xf32, #tpu.memory_space<vmem>>) target_semaphore(%run_scoped3A_51 : memref<!tpu.dma_semaphore, #tpu.memory_space<semaphore_mem>>)
          %dma_wait3A = arith.constant 0 : i32
          %dma_wait3A_62 = arith.constant 0 : i32
          %dma_wait3A_63 = tpu.memref_slice %arg11[%dma_wait3A, %dma_wait3A_62] : memref<128x128xf32, #tpu.memory_space<vmem>> -> memref<80x128xf32, #tpu.memory_space<vmem>>
          %dma_wait3A_64 = arith.constant 0 : i32
          %dma_wait3A_65 = tpu.memref_slice %arg9[%add3A, %dma_wait3A_64] : memref<10240x128xf32, #tpu.memory_space<vmem_shared>> -> memref<80x128xf32, #tpu.memory_space<vmem_shared>>
          %dma_wait3A_66 = arith.constant 0 : i32
          %dma_wait3A_67 = arith.constant 0 : i32
          %dma_wait3A_68 = tpu.memref_slice %arg11[%dma_wait3A_66, %dma_wait3A_67] : memref<128x128xf32, #tpu.memory_space<vmem>> -> memref<80x128xf32, #tpu.memory_space<vmem>>
          %dma_wait3A_69 = arith.constant 0 : i32
          %dma_wait3A_70 = tpu.memref_slice %arg9[%add3A, %dma_wait3A_69] : memref<10240x128xf32, #tpu.memory_space<vmem_shared>> -> memref<80x128xf32, #tpu.memory_space<vmem_shared>>
          tpu.wait_dma2 semaphore(%run_scoped3A_51 : memref<!tpu.dma_semaphore, #tpu.memory_space<semaphore_mem>>) src(%dma_wait3A_70 : memref<80x128xf32, #tpu.memory_space<vmem_shared>>) dst(%dma_wait3A_68 : memref<80x128xf32, #tpu.memory_space<vmem>>)
          tpu.yield
        }) : () -> ()
        "tpu.region"() ({
          %run_scoped3A_51 = tpu.sem_alloc : memref<!tpu.dma_semaphore, #tpu.memory_space<semaphore_mem>>
          %dma_start3A_52 = arith.constant 0 : i32
          %dma_start3A_53 = arith.constant 0 : i32
          %dma_start3A_54 = tpu.memref_slice %arg11[%dma_start3A_52, %dma_start3A_53] : memref<128x128xf32, #tpu.memory_space<vmem>> -> memref<80x128xf32, #tpu.memory_space<vmem>>
          %dma_start3A_55 = arith.constant 0 : i32
          %dma_start3A_56 = tpu.memref_slice %arg7[%add3A, %dma_start3A_55] : memref<10240x128xf32, #tpu.memory_space<hbm>> -> memref<80x128xf32, #tpu.memory_space<hbm>>
          %dma_start3A_57 = arith.constant 0 : i32
          %dma_start3A_58 = tpu.memref_slice %arg7[%add3A, %dma_start3A_57] : memref<10240x128xf32, #tpu.memory_space<hbm>> -> memref<80x128xf32, #tpu.memory_space<hbm>>
          %dma_start3A_59 = arith.constant 0 : i32
          %dma_start3A_60 = arith.constant 0 : i32
          %dma_start3A_61 = tpu.memref_slice %arg11[%dma_start3A_59, %dma_start3A_60] : memref<128x128xf32, #tpu.memory_space<vmem>> -> memref<80x128xf32, #tpu.memory_space<vmem>>
          tpu.enqueue_dma source(%dma_start3A_61 : memref<80x128xf32, #tpu.memory_space<vmem>>) target(%dma_start3A_58 : memref<80x128xf32, #tpu.memory_space<hbm>>) target_semaphore(%run_scoped3A_51 : memref<!tpu.dma_semaphore, #tpu.memory_space<semaphore_mem>>)
          %dma_wait3A = arith.constant 0 : i32
          %dma_wait3A_62 = arith.constant 0 : i32
          %dma_wait3A_63 = tpu.memref_slice %arg11[%dma_wait3A, %dma_wait3A_62] : memref<128x128xf32, #tpu.memory_space<vmem>> -> memref<80x128xf32, #tpu.memory_space<vmem>>
          %dma_wait3A_64 = arith.constant 0 : i32
          %dma_wait3A_65 = tpu.memref_slice %arg7[%add3A, %dma_wait3A_64] : memref<10240x128xf32, #tpu.memory_space<hbm>> -> memref<80x128xf32, #tpu.memory_space<hbm>>
          %dma_wait3A_66 = arith.constant 0 : i32
          %dma_wait3A_67 = tpu.memref_slice %arg7[%add3A, %dma_wait3A_66] : memref<10240x128xf32, #tpu.memory_space<hbm>> -> memref<80x128xf32, #tpu.memory_space<hbm>>
          %dma_wait3A_68 = arith.constant 0 : i32
          %dma_wait3A_69 = arith.constant 0 : i32
          %dma_wait3A_70 = tpu.memref_slice %arg11[%dma_wait3A_68, %dma_wait3A_69] : memref<128x128xf32, #tpu.memory_space<vmem>> -> memref<80x128xf32, #tpu.memory_space<vmem>>
          tpu.wait_dma2 semaphore(%run_scoped3A_51 : memref<!tpu.dma_semaphore, #tpu.memory_space<semaphore_mem>>) src(%dma_wait3A_70 : memref<80x128xf32, #tpu.memory_space<vmem>>) dst(%dma_wait3A_67 : memref<80x128xf32, #tpu.memory_space<hbm>>)
          tpu.yield
        }) : () -> ()
      }
      %scan3A_46 = arith.constant 8 : i32
    } else {
    }
    return
  }
}

module attributes {stable_mosaic.version = 14 : i64} {
  func.func @_tc_body(%arg0: i32, %arg1: memref<2000x256xf32, #tpu.memory_space<vmem>>, %arg2: memref<2000x128xf32, #tpu.memory_space<vmem>>, %arg3: memref<2000x128xf32, #tpu.memory_space<vmem>>, %arg4: memref<2000x1xf32, #tpu.memory_space<vmem>>, %arg5: memref<256x256xf32, #tpu.memory_space<vmem>>, %arg6: memref<128x256xf32, #tpu.memory_space<vmem>>, %arg7: memref<128x256xf32, #tpu.memory_space<vmem>>, %arg8: memref<1x256xf32, #tpu.memory_space<vmem>>, %arg9: memref<2000x256xf32, #tpu.memory_space<vmem>>) attributes {dimension_semantics = [#tpu.dimension_semantics<arbitrary>], iteration_bounds = array<i64: 5>, scalar_prefetch = 0 : i64, scratch_operands = 0 : i64, tpu.core_type = #tpu.core_type<tc>, window_params = [{transform_indices = @transform_0, window_bounds = array<i64: 2000, 256>}, {transform_indices = @transform_1, window_bounds = array<i64: 2000, 128>}, {transform_indices = @transform_2, window_bounds = array<i64: 2000, 128>}, {transform_indices = @transform_3, window_bounds = array<i64: 2000, 1>}, {pipeline_mode = #tpu.pipeline_mode<synchronous>, transform_indices = @transform_4, window_bounds = array<i64: 256, 256>}, {pipeline_mode = #tpu.pipeline_mode<synchronous>, transform_indices = @transform_5, window_bounds = array<i64: 128, 256>}, {pipeline_mode = #tpu.pipeline_mode<synchronous>, transform_indices = @transform_6, window_bounds = array<i64: 128, 256>}, {pipeline_mode = #tpu.pipeline_mode<synchronous>, transform_indices = @transform_7, window_bounds = array<i64: 1, 256>}, {transform_indices = @transform_8, window_bounds = array<i64: 2000, 256>}]} {
    %get3A = arith.constant 0 : index
    %get3A_0 = arith.constant 0 : index
    %get3A_1 = vector.load %arg4[%get3A, %get3A_0] : memref<2000x1xf32, #tpu.memory_space<vmem>>, vector<2000x1xf32>
    %div3A = arith.constant 1.000000e+00 : f32
    %div3A_2 = vector.broadcast %div3A : f32 to vector<2000x1xf32>
    %div3A_3 = arith.divf %div3A_2, %get3A_1 : vector<2000x1xf32>
    %get3A_4 = arith.constant 0 : index
    %get3A_5 = arith.constant 0 : index
    %get3A_6 = vector.load %arg1[%get3A_4, %get3A_5] : memref<2000x256xf32, #tpu.memory_space<vmem>>, vector<2000x256xf32>
    %get3A_7 = arith.constant 0 : index
    %get3A_8 = arith.constant 0 : index
    %get3A_9 = vector.load %arg5[%get3A_7, %get3A_8] : memref<256x256xf32, #tpu.memory_space<vmem>>, vector<256x256xf32>
    %dot_general3A = arith.constant dense<0.000000e+00> : vector<2000x256xf32>
    %dot_general3A_10 = tpu.matmul %get3A_6, %get3A_9, %dot_general3A {dimension_numbers = #tpu.dot_dimension_numbers<[1], [0], [0], [1], [0, 0, 1, 1], [], []>, transpose_lhs_hint = false} : vector<2000x256xf32>, vector<256x256xf32>, vector<2000x256xf32> -> vector<2000x256xf32>
    %get3A_11 = arith.constant 0 : index
    %get3A_12 = arith.constant 0 : index
    %get3A_13 = vector.load %arg2[%get3A_11, %get3A_12] : memref<2000x128xf32, #tpu.memory_space<vmem>>, vector<2000x128xf32>
    %mul3A = vector.broadcast %div3A_3 : vector<2000x1xf32> to vector<2000x128xf32>
    %mul3A_14 = arith.mulf %get3A_13, %mul3A : vector<2000x128xf32>
    %get3A_15 = arith.constant 0 : index
    %get3A_16 = arith.constant 0 : index
    %get3A_17 = vector.load %arg6[%get3A_15, %get3A_16] : memref<128x256xf32, #tpu.memory_space<vmem>>, vector<128x256xf32>
    %dot_general3A_18 = arith.constant dense<0.000000e+00> : vector<2000x256xf32>
    %dot_general3A_19 = tpu.matmul %mul3A_14, %get3A_17, %dot_general3A_18 {dimension_numbers = #tpu.dot_dimension_numbers<[1], [0], [0], [1], [0, 0, 1, 1], [], []>, transpose_lhs_hint = false} : vector<2000x128xf32>, vector<128x256xf32>, vector<2000x256xf32> -> vector<2000x256xf32>
    %add3A = arith.addf %dot_general3A_10, %dot_general3A_19 : vector<2000x256xf32>
    %get3A_20 = arith.constant 0 : index
    %get3A_21 = arith.constant 0 : index
    %get3A_22 = vector.load %arg3[%get3A_20, %get3A_21] : memref<2000x128xf32, #tpu.memory_space<vmem>>, vector<2000x128xf32>
    %mul3A_23 = vector.broadcast %div3A_3 : vector<2000x1xf32> to vector<2000x128xf32>
    %mul3A_24 = arith.mulf %get3A_22, %mul3A_23 : vector<2000x128xf32>
    %get3A_25 = arith.constant 0 : index
    %get3A_26 = arith.constant 0 : index
    %get3A_27 = vector.load %arg7[%get3A_25, %get3A_26] : memref<128x256xf32, #tpu.memory_space<vmem>>, vector<128x256xf32>
    %dot_general3A_28 = arith.constant dense<0.000000e+00> : vector<2000x256xf32>
    %dot_general3A_29 = tpu.matmul %mul3A_24, %get3A_27, %dot_general3A_28 {dimension_numbers = #tpu.dot_dimension_numbers<[1], [0], [0], [1], [0, 0, 1, 1], [], []>, transpose_lhs_hint = false} : vector<2000x128xf32>, vector<128x256xf32>, vector<2000x256xf32> -> vector<2000x256xf32>
    %add3A_30 = arith.addf %add3A, %dot_general3A_29 : vector<2000x256xf32>
    %get3A_31 = arith.constant 0 : index
    %get3A_32 = arith.constant 0 : index
    %get3A_33 = vector.load %arg8[%get3A_31, %get3A_32] : memref<1x256xf32, #tpu.memory_space<vmem>>, vector<1x256xf32>
    %add3A_34 = vector.broadcast %get3A_33 : vector<1x256xf32> to vector<2000x256xf32>
    %add3A_35 = arith.addf %add3A_30, %add3A_34 : vector<2000x256xf32>
    %swap3A = arith.constant 0 : index
    %swap3A_36 = arith.constant 0 : index
    %swap3A_37 = vector.load %arg9[%swap3A, %swap3A_36] : memref<2000x256xf32, #tpu.memory_space<vmem>>, vector<2000x256xf32>
    tpu.vector_store %arg9[%swap3A, %swap3A_36], %add3A_35 {strides = array<i32>} : memref<2000x256xf32, #tpu.memory_space<vmem>>, vector<2000x256xf32>,
    return
  }
  func.func @transform_0(%arg0: i32) -> (i32, i32) {
    %c0_i32 = arith.constant 0 : i32
    %c0_i32_0 = arith.constant 0 : i32
    return %arg0, %c0_i32 : i32, i32
  }
  func.func @transform_1(%arg0: i32) -> (i32, i32) {
    %c0_i32 = arith.constant 0 : i32
    %c0_i32_0 = arith.constant 0 : i32
    return %arg0, %c0_i32 : i32, i32
  }
  func.func @transform_2(%arg0: i32) -> (i32, i32) {
    %c0_i32 = arith.constant 0 : i32
    %c0_i32_0 = arith.constant 0 : i32
    return %arg0, %c0_i32 : i32, i32
  }
  func.func @transform_3(%arg0: i32) -> (i32, i32) {
    %c0_i32 = arith.constant 0 : i32
    %c0_i32_0 = arith.constant 0 : i32
    return %arg0, %c0_i32 : i32, i32
  }
  func.func @transform_4(%arg0: i32) -> (i32, i32) {
    %c0_i32 = arith.constant 0 : i32
    %c0_i32_0 = arith.constant 0 : i32
    %c0_i32_1 = arith.constant 0 : i32
    return %c0_i32, %c0_i32_0 : i32, i32
  }
  func.func @transform_5(%arg0: i32) -> (i32, i32) {
    %c0_i32 = arith.constant 0 : i32
    %c0_i32_0 = arith.constant 0 : i32
    %c0_i32_1 = arith.constant 0 : i32
    return %c0_i32, %c0_i32_0 : i32, i32
  }
  func.func @transform_6(%arg0: i32) -> (i32, i32) {
    %c0_i32 = arith.constant 0 : i32
    %c0_i32_0 = arith.constant 0 : i32
    %c0_i32_1 = arith.constant 0 : i32
    return %c0_i32, %c0_i32_0 : i32, i32
  }
  func.func @transform_7(%arg0: i32) -> (i32, i32) {
    %c0_i32 = arith.constant 0 : i32
    %c0_i32_0 = arith.constant 0 : i32
    %c0_i32_1 = arith.constant 0 : i32
    return %c0_i32, %c0_i32_0 : i32, i32
  }
  func.func @transform_8(%arg0: i32) -> (i32, i32) {
    %c0_i32 = arith.constant 0 : i32
    %c0_i32_0 = arith.constant 0 : i32
    return %arg0, %c0_i32 : i32, i32
  }
}

</mosaic_0001>

<sc_bundles>
// kernel: kernel.4.cloned.1.call-start
scs
__scs_entry_jumppad:
0x0: {  	(pc) =	sbr.rel $0x88, $3  }
0x1: {  	(tag) =	ssettag $0x0;
	lr =	simm.s32 $0x1  }
0x2: {  	[smem:$0x3F9C] =	sst lr;
	_ =	strace $0xD0000000  }
0x3: {  	_ = 	snop  }
0x4: {  	_ = 	snop  }
0x5: {  	_ = 	snop  }
0x6: {  	_ = 	snop  }
0x7: {  	_ = 	snop  }
__scs_overlays_trampoline_lowered:
0x8: {  	[smem:$0x3FAB] =	sst s0  }
0x9: {  	[smem:$0x3FAC] =	sst s1  }
0xa: {  	[smem:$0x3FAD] =	sst s2  }
0xb: {  	[smem:$0x3FAE] =	sst s3  }
0xc: {  	[smem:$0x3FAF] =	sst s4  }
0xd: {  	[smem:$0x3FB0] =	sst s5  }
0xe: {  	[smem:$0x3FB1] =	sst s6  }
0xf: {  	[smem:$0x3FB2] =	sst s7  }
0x10: {  	[smem:$0x3FB3] =	sst s8  }
0x11: {  	[smem:$0x3FB4] =	sst s9;
	s0 =	simm.s32 @!p0 $0x0  }
0x12: {  	s1 =	sld [smem:$0x3F9A];
	s0 =	simm.s32 @p0 $0x1  }
0x13: {  	[smem:$0x3FB5] =	sst s0;
	s0 =	simm.s32 @!p1 $0x0  }
0x14: {  	s2 =	sld [smem:$0x3F99];
	s0 =	simm.s32 @p1 $0x1  }
0x15: {  	[smem:$0x3FB6] =	sst s0;
	s0 =	simm.s32 @!p2 $0x0  }
0x16: {  	s3 =	sld [smem:$0x3FDB];
	s0 =	simm.s32 @p2 $0x1  }
0x17: {  	s4 =	simm.s32 $0x1BF5;
	[smem:$0x3FB8] =	sst s0  }
0x18: {  	s0 =	sld [smem:$0x3F9B];
	_ =	swait.ge [sflag:s4], $0x0  }
0x19: {  	s7 =	sld [smem:$0x3F9C]  }
0x1a: {  	s8 =	sadd.s32 $0xFFFFE003, lr  }
0x1b: {  	s9 =	sadd.s32 $0xFFFFFEF7, lr;
	s5 =	simm.s32 $0xFFFFFFFF;
	p2 =	slt.u32 s8, $0xFFFFF086  }
0x1c: {  	p1 =	slt.u32 s9, $0xF7A;
	s5 =	simm.s32 @!p2 $0x0  }
0x1d: {  	s5 =	simm.s32 @p1 $0x1;
	p0 =	seq.s32 s7, s2  }
0x1e: {  	s7 =	smul.u32 @!p0 $0xF7A, s2;
	p2 =	seq.s32 @!p0 s5, $0x0  }
0x1f: {  	s9 =	smul.u32 $0xF7A, s1;
	s8 =	simm.s32 @!p0 $0x1BF5;
	p2 =	por !p2, p0  }
0x20: {  	[sflag:s8] =	ssyncset.s32 @!p0 $0xFFFFF086;
	s6 =	sadd.s32 @!p0 s3, s7;
	s7 =	simm.s32 @!p0 $0x108  }
0x21: {  	s3 =	sadd.s32 s3, s9;
	s6 =	sadd.s32 @!p0 $0x88, s6;
	s7 =	simm.s32 @p2 $0x1082  }
0x22: {  	[simem:s7], [sflag:s8] =	dma.local @!p0 [hbm:s6], $0xF7A  }
0x23: {  	s9 =	sor.u32 $0xD0000000, s2;
	s6 =	simm.s32 $0x108;
	_ =	swait.ge @!p0 [sflag:s8], $0x0  }
0x24: {  	s3 =	sadd.s32 $0x88, s3;
	s6 =	simm.s32 @!p1 $0x1082;
	[sflag:s4] =	ssyncset.s32 $0xFFFFF086  }
0x25: {  	[simem:s6], [sflag:s4] =	dma.local [hbm:s3], $0xF7A  }
0x26: {  	[smem:$0x3F9C] =	sst s1;
	(tag) =	ssettag s2;
	_ =	strace s9  }
0x27: {  	s1 =	sld [smem:$0x3FAC]  }
0x28: {  	s2 =	sld [smem:$0x3FAD]  }
0x29: {  	s4 =	sld [smem:$0x3FAF]  }
0x2a: {  	p0 =	seq.s32 s5, $0x0;
	s5 =	sld [smem:$0x3FB0]  }
0x2b: {  	s6 =	sld [smem:$0x3FB1]  }
0x2c: {  	s7 =	sld [smem:$0x3FB2]  }
0x2d: {  	s3 =	simm.s32 $0x108;
	s8 =	sld [smem:$0x3FB3]  }
0x2e: {  	s3 =	simm.s32 @!p0 $0x1082;
	s9 =	sld [smem:$0x3FB4]  }
0x2f: {  	lr =	sadd.s32 s0, s3;
	s0 =	sld [smem:$0x3FAB]  }
0x30: {  	s3 =	sld [smem:$0x3FAE]  }
0x31: {  	[smem:$0x3FB7] =	sst s10  }
0x32: {  	s10 =	sld [smem:$0x3FB5];
	_ =	sdelay $0x3  }
0x33: {  	p0 =	seq.s32 s10, $0x1;
	s10 =	sld [smem:$0x3FB7];
	_ =	sdelay $0x3  }
0x34: {  	[smem:$0x3FB7] =	sst s10  }
0x35: {  	s10 =	sld [smem:$0x3FB6];
	_ =	sdelay $0x3  }
0x36: {  	p1 =	seq.s32 s10, $0x1;
	s10 =	sld [smem:$0x3FB7];
	_ =	sdelay $0x3  }
0x37: {  	[smem:$0x3FB7] =	sst s10  }
0x38: {  	s10 =	sld [smem:$0x3FB8]  }
0x39: {  	_ = 	snop;
	(pc) =	sbr.ind lr, $3  }
0x3a: {  	_ = 	snop  }
0x3b: {  	_ = 	snop  }
0x3c: {  	p2 =	seq.s32 s10, $0x1;
	s10 =	sld [smem:$0x3FB7]  }
0x3d: {  	_ =	shalt  }
0x3e: {  	_ =	shalt  }
0x3f: {  	_ =	shalt  }
0x40: {  	_ =	shalt  }
0x41: {  	_ =	shalt  }
0x42: {  	_ =	shalt  }
0x43: {  	_ =	shalt  }
0x44: {  	_ =	shalt  }
0x45: {  	_ =	shalt  }
0x46: {  	_ =	shalt  }
0x47: {  	_ =	shalt  }
0x48: {  	_ =	shalt  }
0x49: {  	_ =	shalt  }
0x4a: {  	_ =	shalt  }
0x4b: {  	_ =	shalt  }
0x4c: {  	_ =	shalt  }
0x4d: {  	_ =	shalt  }
0x4e: {  	_ =	shalt  }
0x4f: {  	_ =	shalt  }
0x50: {  	_ =	shalt  }
0x51: {  	_ =	shalt  }
0x52: {  	_ =	shalt  }
0x53: {  	_ =	shalt  }
0x54: {  	_ =	shalt  }
0x55: {  	_ =	shalt  }
0x56: {  	_ =	shalt  }
0x57: {  	_ =	shalt  }
0x58: {  	_ =	shalt  }
0x59: {  	_ =	shalt  }
0x5a: {  	_ =	shalt  }
0x5b: {  	_ =	shalt  }
0x5c: {  	_ =	shalt  }
0x5d: {  	_ =	shalt  }
0x5e: {  	_ =	shalt  }
0x5f: {  	_ =	shalt  }
0x60: {  	_ =	shalt  }
0x61: {  	_ =	shalt  }
0x62: {  	_ =	shalt  }
0x63: {  	_ =	shalt  }
0x64: {  	_ =	shalt  }
0x65: {  	_ =	shalt  }
0x66: {  	_ =	shalt  }
0x67: {  	_ =	shalt  }
0x68: {  	_ =	shalt  }
0x69: {  	_ =	shalt  }
0x6a: {  	_ =	shalt  }
0x6b: {  	_ =	shalt  }
0x6c: {  	_ =	shalt  }
0x6d: {  	_ =	shalt  }
0x6e: {  	_ =	shalt  }
0x6f: {  	_ =	shalt  }
0x70: {  	_ =	shalt  }
0x71: {  	_ =	shalt  }
0x72: {  	_ =	shalt  }
0x73: {  	_ =	shalt  }
0x74: {  	_ =	shalt  }
0x75: {  	_ =	shalt  }
0x76: {  	_ =	shalt  }
0x77: {  	_ =	shalt  }
0x78: {  	_ =	shalt  }
0x79: {  	_ =	shalt  }
0x7a: {  	_ =	shalt  }
0x7b: {  	_ =	shalt  }
0x7c: {  	_ =	shalt  }
0x7d: {  	_ =	shalt  }
0x7e: {  	_ =	shalt  }
0x7f: {  	_ =	shalt  }
0x80: {  	_ =	shalt  }
0x81: {  	_ =	shalt  }
0x82: {  	_ =	shalt  }
0x83: {  	_ =	shalt  }
0x84: {  	_ =	shalt  }
0x85: {  	_ =	shalt  }
0x86: {  	_ =	shalt  }
0x87: {  	_ =	shalt  }
.Lfunc_end0:
.L_simem_size_0:
called_computation_lowered:
.L_overlay_start_0:
0x88: {  	s2 =	sld [smem:$0x3FD9]  }
0x89: {  	s3 =	sld [smem:$0x3FFE];
	_ =	sdelay $0x1  }
0x8a: {  	s1 =	srdreg.scid  }
0x8b: {  	s0 =	sand.u32 $0x1, s1  }
0x8c: {  	s17 =	sshll.u32 s0, $0xA;
	s2 =	sadd.s32 s3, s2  }
0x8d: {  	s2 =	sadd.s32 s2, s17  }
0x8e: {  	[smem:$0x3FC3] =	sst s2  }
0x8f: {  	_ = 	snop  }
0x90: {  	s2 =	sld [smem:$0x3FD0];
	(tm) =	ssettm $0x1  }
0x91: {  	s18 =	sld [smem:$0x3FFB];
	_ =	sdelay $0x3  }
0x92: {  	_ =	strace s18  }
0x93: {  	s3 =	sld [smem:$0x3FFC];
	_ =	sdelay $0x3  }
0x94: {  	_ =	strace s3  }
0x95: {  	s3 =	sld [smem:$0x3FFD];
	_ =	sdelay $0x3  }
0x96: {  	_ =	strace s3  }
0x97: {  	_ =	strace $0x8FFFFFFF  }
0x98: {  	s19 =	sld [smem:$0x3FDB];
	_ =	sdelay $0x1  }
0x99: {  	s4 =	simm.s32 $_scs_section_size  }
0x9a: {  	s5 =	simm.s32 $_size__tile_overlayer_lowered;
	s6 =	simm.s32 $_tile_overlayer_lowered  }
0x9b: {  	s22 =	simm.s32 $0x1BFF;
	s21 =	sshll.u32 s6, $0x1;
	s3 =	sadd.s32 s4, s19  }
0x9c: {  	s7 =	simm.s32 $0x0;
	s20 =	sshll.u32 s5, $0x1;
	s5 =	sadd.s32 s21, s3  }
0x9d: {  	[timem:s7], [sflag:s22] =	dma.local [hbm:s5], s20  }
0x9e: {  	_ =	swait.ge [sflag:s22], s20  }
0x9f: {  	s4 =	ssub.s32 $0x0, s20;
	[sflag:s22] =	ssyncset.done $0x0  }
0xa0: {  	[sflag:s22] =	ssyncadd.s32 s4;
	_ =	sdelay $0x1  }
0xa1: {  	s23 =	simm.s32 $0x1B8B  }
0xa2: {  	_ =	swait.ge [sflag:s23], $0x1  }
0xa3: {  	[sflag:s23] =	ssyncset.done $0x0  }
0xa4: {  	s25 =	simm.s32 $0x1B8E;
	s24 =	sld [smem:$0x3FFE];
	[sflag:s23] =	ssyncadd.s32 $0xFFFFFFFF  }
0xa5: {  	s26 =	simm.s32 $execute0_lowered;
	[smem:$0x3FD2] =	sst s25  }
0xa6: {  	s5 =	sshll.u32 s26, $0x1;
	_ =	strace $0x80000046;
	[dreg:$0x1] =	wrdreg $0xFFFFFFFF  }
0xa7: {  	s28 =	simm.s32 $_size_execute0_lowered;
	s3 =	sadd.s32 s3, s5;
	[dreg:$0x0] =	wrdreg $0x0  }
0xa8: {  	s5 =	sshll.u32 s28, $0x1;
	[dreg:$0x2] =	wrdreg s3  }
0xa9: {  	[dreg:$0x3] =	wrdreg s5  }
0xaa: {  	[dreg:$0x4] =	wrdreg $0xC0  }
0xab: {  	_ =	task [dreg:s7], $0x5FFFF  }
0xac: {  	[dreg:$0x1] =	wrdreg $0xFFFFFFFF  }
0xad: {  	[dreg:$0x0] =	wrdreg $0x60  }
0xae: {  	[dreg:$0x2] =	wrdreg s24  }
0xaf: {  	[dreg:$0x3] =	wrdreg s2  }
0xb0: {  	[dreg:$0x4] =	wrdreg $0x0  }
0xb1: {  	[dreg:$0x5] =	wrdreg $0x140000  }
0xb2: {  	[dreg:$0x6] =	wrdreg $0x9  }
0xb3: {  	_ =	task.clear_ibuf [dreg:s7], $0x7FFFF;
	_ =	strace $0x90000046  }
0xb4: {  	s29 =	simm.s32 $0x9;
	_ =	strace $0x80000048  }
0xb5: {  	_ =	swait.ge [sflag:s29], $0x1  }
0xb6: {  	[sflag:s29] =	ssyncadd.s32 $0xFFFFFFFF  }
0xb7: {  	_ =	strace $0x90000048  }
0xb8: {  	_ =	sfence  }
0xb9: {  	s30 =	sld [smem:$0x0];
	_ =	sdelay $0x2  }
0xba: {  	s31 =	sshll.u32 s1, $0xD;
	s1 =	sshrl.u32 s1, $0x2  }
0xbb: {  	s3 =	sand.u32 $0x4000, s31;
	s1 =	sadd.s32 s1, s30  }
0xbc: {  	s0 =	sor.u32 s3, s0;
	s1 =	sshll.u32 s1, $0x11  }
0xbd: {  	s0 =	sor.u32 s1, s0  }
0xbe: {  	s0 =	sadd.s32 $0x8F2B, s0  }
0xbf: {  	[sflag:s0] =	ssyncadd.remote.s32 $0x1  }
0xc0: {  	_ =	sfence.sel $0xFFFF  }
0xc1: {  	[dreg:$0x0] =	wrdreg $0xFFFFFFFF;
	(pc) =	sbr.abs _section_cstart, $3  }
0xc2: {  	[dreg:$0x1] =	wrdreg $0xFFFFFFFF  }
0xc3: {  	_ =	task.clear_ibuf [dreg:s7], $0x2FFFF;
	_ =	strace $0x9FFFFFFF  }
0xc4: {  	(tm) =	ssettm $0x7FFFFFFF  }
0xc5: {  	_ =	shalt  }
tec
execute0_lowered:
.L_overlay_start_1:
0x0: {  	(tag) =	ssettag $0x1  }
0x1: {  	s5 =	rddreg [dreg:$0x0]  }
0x2: {  	s1 =	rddreg [dreg:$0x1]  }
0x3: {  	s2 =	rddreg [dreg:$0x2]  }
0x4: {  	s3 =	rddreg [dreg:$0x3];
	s4 =	simm.s32 $0x0;
	s15 =	stileid.u32  }
0x5: {  	s0 =	srdreg.scid;
	[smem:$0x7FF] =	sst s4;
	s6 =	sadd.s32 $0xE00, s5  }
0x6: {  	s7 =	sadd.s32 $0x2DE00, s5;
	s8 =	sadd.s32 $0x28E00, s5;
	s9 =	smul.u32 $0x280, s15  }
0x7: {  	s10 =	sand.u32 $0x1, s0;
	s11 =	sadd.s32 $0x33400, s5;
	s24 =	smul.u32 $0x2800, s15  }
0x8: {  	s0 =	sadd.s32 $0x5B400, s5;
	s26 =	smul.u32 $0x50000, s15;
	_ =	strace $0x80000047  }
0x9: {  	s12 =	ssub.s32 $0x2, s10;
	p0 =	seq.s32 s10, $0x1;
	s13 =	sshrl.u32 s9, $0x3  }
0xa: {  	s14 =	sshrl.u32 s12, $0x1;
	s23 =	sshrl.u32 s24, $0x3;
	s17 =	sshrl.u32 s26, $0x2  }
0xb: {  	s19 =	sor.u32 $0x50, s9;
	s20 =	sadd.s32 $0xA0, s9;
	s22 =	sadd.s32 $0xF0, s9  }
0xc: {  	s5 =	sadd.s32 s13, s5;
	s12 =	ssub.s32 s12, s14;
	s16 =	sadd.s32 s7, s23  }
0xd: {  	s25 =	sor.u32 $0x10, s23;
	s13 =	sadd.s32 s8, s23;
	[dreg:$0x5] =	wrdreg s16  }
0xe: {  	s21 =	sshll.u32 s20, $0x7;
	s23 =	sshll.u32 s22, $0x7;
	[dreg:$0x6] =	wrdreg s13  }
0xf: {  	s16 =	sadd.s32 s7, s25;
	s10 =	sadd.s32 s8, s25;
	s5 =	sadd.s32 $0x32E00, s5  }
0x10: {  	s18 =	smax.u32 s12, $0x1;
	s13 =	sadd.s32 s17, s2;
	[dreg:$0x7] =	wrdreg s16  }
0x11: {  	s17 =	smul.u32 $0x500, s15;
	s12 =	sshll.u32 s20, $0x4;
	[dreg:$0x8] =	wrdreg s10  }
0x12: {  	s25 =	sadd.s32 $0x140, s9;
	s20 =	sadd.s32 $0x190, s9;
	[dreg:$0x9] =	wrdreg s5  }
0x13: {  	s15 =	sadd.s32 s9, s3;
	[dreg:$0xa] =	wrdreg s18;
	s10 =	sshll.u32 s19, $0x4  }
0x14: {  	s5 =	sshll.u32 s19, $0x7;
	s18 =	sadd.s32 s23, s2;
	[dreg:$0xd] =	wrdreg s15  }
0x15: {  	s26 =	sshll.u32 s20, $0x7;
	[dreg:$0xb] =	wrdreg s13;
	s14 =	sadd.s32 s5, s2  }
0x16: {  	s5 =	sadd.s32 s21, s2;
	s16 =	sadd.s32 s17, s8;
	s17 =	sadd.s32 s17, s7  }
0x17: {  	s8 =	sshll.u32 s25, $0x4;
	s7 =	sshll.u32 s25, $0x7;
	s21 =	sadd.s32 $0x1E0, s9  }
0x18: {  	s25 =	sshll.u32 s20, $0x4;
	s20 =	sadd.s32 s26, s2;
	s9 =	sadd.s32 $0x230, s9  }
0x19: {  	s15 =	sadd.s32 s11, s10;
	[smem:$0x7EF] =	sst s5;
	s5 =	sshll.u32 s22, $0x4  }
0x1a: {  	s19 =	sadd.s32 s7, s2;
	s7 =	sshll.u32 s21, $0x4;
	[dreg:$0xf] =	wrdreg s15  }
0x1b: {  	s22 =	sshll.u32 s21, $0x7;
	s21 =	sadd.s32 s11, s24;
	[dreg:$0xc] =	wrdreg s14  }
0x1c: {  	s26 =	sshll.u32 s9, $0x4;
	[dreg:$0xe] =	wrdreg s21;
	s21 =	sadd.s32 s11, s12  }
0x1d: {  	s9 =	sshll.u32 s9, $0x7;
	s15 =	sadd.s32 s11, s5;
	[dreg:$0x10] =	wrdreg s21  }
0x1e: {  	s23 =	sadd.s32 s9, s2;
	s9 =	sadd.s32 s0, s8;
	[dreg:$0x11] =	wrdreg s15  }
0x1f: {  	s21 =	sadd.s32 s11, s8;
	[smem:$0x7F4] =	sst s9  }
0x20: {  	s15 =	sadd.s32 s11, s25;
	[dreg:$0x12] =	wrdreg s21  }
0x21: {  	[dreg:$0x13] =	wrdreg s15;
	s21 =	sadd.s32 s11, s7  }
0x22: {  	s11 =	sadd.s32 s11, s26;
	[dreg:$0x14] =	wrdreg s21  }
0x23: {  	s15 =	sadd.s32 s6, s24;
	[dreg:$0x15] =	wrdreg s11  }
0x24: {  	[dreg:$0x16] =	wrdreg s15;
	s21 =	sadd.s32 s1, s24  }
0x25: {  	s24 =	sadd.s32 s0, s24;
	[dreg:$0x17] =	wrdreg s21  }
0x26: {  	s11 =	sadd.s32 s6, s10;
	[dreg:$0x18] =	wrdreg s24  }
0x27: {  	s15 =	sadd.s32 s1, s10;
	[dreg:$0x19] =	wrdreg s11  }
0x28: {  	[dreg:$0x1a] =	wrdreg s15;
	s21 =	sadd.s32 s0, s10  }
0x29: {  	s24 =	sadd.s32 s6, s12;
	[dreg:$0x1b] =	wrdreg s21  }
0x2a: {  	s10 =	sadd.s32 s1, s12;
	[dreg:$0x1c] =	wrdreg s24  }
0x2b: {  	s11 =	sadd.s32 s0, s12;
	[dreg:$0x1d] =	wrdreg s10  }
0x2c: {  	s12 =	sadd.s32 s6, s5;
	[dreg:$0x1e] =	wrdreg s11  }
0x2d: {  	s15 =	sadd.s32 s1, s5;
	[dreg:$0x1f] =	wrdreg s12  }
0x2e: {  	s28 =	simm.s32 $0x5;
	s5 =	sadd.s32 s0, s5;
	[smem:$0x7F0] =	sst s15  }
0x2f: {  	s29 =	simm.s32 $0x1C280;
	[smem:$0x7F1] =	sst s5;
	s21 =	sadd.s32 s6, s8  }
0x30: {  	s30 =	simm.s32 $0x1C380;
	s24 =	sadd.s32 s1, s8;
	[smem:$0x7F2] =	sst s21  }
0x31: {  	s31 =	simm.s32 $0x80;
	s10 =	sadd.s32 s6, s25;
	[smem:$0x7F3] =	sst s24  }
0x32: {  	s22 =	sadd.s32 s22, s2;
	s11 =	sadd.s32 s1, s25;
	[smem:$0x7F5] =	sst s10  }
0x33: {  	s9 =	simm.s32 $0x1C480;
	s12 =	sadd.s32 s0, s25;
	[smem:$0x7F6] =	sst s11  }
0x34: {  	s15 =	sadd.s32 s6, s7;
	s25 =	sadd.s32 s6, s26;
	[smem:$0x7F7] =	sst s12  }
0x35: {  	s5 =	simm.s32 $0x1C400;
	s8 =	simm.s32 $0x3;
	[smem:$0x7F8] =	sst s15  }
0x36: {  	s21 =	sadd.s32 s1, s7;
	s24 =	sadd.s32 s0, s7;
	[smem:$0x7FC] =	sst s25  }
.Ltmp0:
0x37: {  	s0 =	sadd.s32 s0, s26;
	[smem:$0x7F9] =	sst s21;
	(pc) =	sbr.rel .LBB2_1-.Ltmp0, $4  }
0x38: {  	s26 =	sadd.s32 s1, s26;
	s11 =	simm.s32 $0x4;
	[smem:$0x7FA] =	sst s24  }
0x39: {  	s25 =	simm.s32 $0x1;
	s7 =	simm.s32 $0x2;
	[smem:$0x7FB] =	sst s0  }
0x3a: {  	s15 =	simm.s32 $0x1C500;
	s10 =	simm.s32 $0x0;
	[smem:$0x7FD] =	sst s26  }
0x3b: {  	v0 =	vimm.f32 $1.000000000e+00;
	s26 =	simm.s32 $0x14280;
	s0 =	simm.s32 $0x1C300;
	s24 =	simm.s32 $0x18280  }
.LBB2_7:
0x3c: {  	[tilespmem:s26], [sflag:$0x1] =	stream.indirect.gather [hbm4b:s6+s31], $0x80, s29, s31, $0xb8;
	[tilespmem:$0x1C780] =	vst v63  }
0x3d: {  	_ =	swait.ge [sflag:s11], $0x80  }
0x3e: {  	[sflag:s11] =	ssyncset.done $0x0  }
0x3f: {  	[sflag:s11] =	ssyncadd.s32 $0xFFFFFF80  }
0x40: {  	_ =	swait.ge [sflag:s11], $0x80  }
0x41: {  	[sflag:s11] =	ssyncset.done $0x0  }
0x42: {  	[sflag:s11] =	ssyncadd.s32 $0xFFFFFF80  }
0x43: {  	[tilespmem:s24], [sflag:$0x2] =	stream.indirect.gather [hbm4b:s6+s31], $0x80, s0, s31, $0xb8;
	[tilespmem:$0x1C780] =	vst v63  }
0x44: {  	_ =	swait.ge [sflag:s25], $0x4000  }
0x45: {  	[sflag:s25] =	ssyncset.done $0x0  }
0x46: {  	[sflag:s25] =	ssyncadd.s32 $0xFFFFC000  }
0x47: {  	[spmem:s2] =	stream.indirect.scatter.add.f32 [tilespmem:s26], [sflag:$0x5], $0x80, s30, s31, $0xb8;
	[tilespmem:$0x1C780] =	vst v63  }
0x48: {  	_ =	swait.ge [sflag:s28], $0x4000  }
0x49: {  	[sflag:s28] =	ssyncset.done $0x0  }
0x4a: {  	[sflag:s28] =	ssyncadd.s32 $0xFFFFC000  }
0x4b: {  	[spmem:s3] =	stream.indirect.scatter.add.f32 [tilespmem:s9], [sflag:$0x5], $0x1, s30, s31, $0xb8;
	[tilespmem:$0x1C780] =	vst v63  }
0x4c: {  	_ =	swait.ge [sflag:s28], $0x80  }
0x4d: {  	[sflag:s28] =	ssyncset.done $0x0  }
0x4e: {  	[sflag:s28] =	ssyncadd.s32 $0xFFFFFF80  }
0x4f: {  	_ =	swait.ge [sflag:s7], $0x4000  }
0x50: {  	[sflag:s7] =	ssyncset.done $0x0  }
0x51: {  	[sflag:s7] =	ssyncadd.s32 $0xFFFFC000  }
0x52: {  	[spmem:s2] =	stream.indirect.scatter.add.f32 [tilespmem:s24], [sflag:$0x5], $0x80, s5, s31, $0xb8;
	[tilespmem:$0x1C780] =	vst v63  }
0x53: {  	_ =	swait.ge [sflag:s28], $0x4000  }
0x54: {  	[sflag:s28] =	ssyncset.done $0x0  }
0x55: {  	[sflag:s28] =	ssyncadd.s32 $0xFFFFC000  }
0x56: {  	[spmem:s3] =	stream.indirect.scatter.add.f32 [tilespmem:s9], [sflag:$0x5], $0x1, s5, s31, $0xb8;
	[tilespmem:$0x1C780] =	vst v63  }
0x57: {  	_ =	swait.ge [sflag:s28], $0x80  }
0x58: {  	[sflag:s28] =	ssyncset.done $0x0  }
0x59: {  	[sflag:s28] =	ssyncadd.s32 $0xFFFFFF80  }
0x5a: {  	[bflag:$0x0] =	sbarrier.arrive $0xFFFF  }
0x5b: {  	s13 =	rddreg [dreg:$0xb]  }
0x5c: {  	[tilespmem:s26], [sflag:$0x5] =	stream.linear.gather [spmem:s13], $0x2800, $0x38;
	[tilespmem:$0x1C780] =	vst v63  }
0x5d: {  	_ =	swait.ge [sflag:s28], $0x2800  }
0x5e: {  	[sflag:s28] =	ssyncset.done $0x0  }
0x5f: {  	s12 =	rddreg [dreg:$0xe];
	[sflag:s28] =	ssyncadd.s32 $0xFFFFD800  }
0x60: {  	[hbm4b:s12+s4] =	stream.linear.scatter [tilespmem:s26], [sflag:$0x5], $0x2800, $0x38;
	[tilespmem:$0x1C780] =	vst v63  }
0x61: {  	_ =	swait.ge [sflag:s28], $0x2800  }
0x62: {  	[sflag:s28] =	ssyncset.done $0x0  }
0x63: {  	s14 =	rddreg [dreg:$0xc];
	[sflag:s28] =	ssyncadd.s32 $0xFFFFD800  }
0x64: {  	[tilespmem:s26], [sflag:$0x5] =	stream.linear.gather [spmem:s14], $0x2800, $0x38;
	[tilespmem:$0x1C780] =	vst v63  }
0x65: {  	_ =	swait.ge [sflag:s28], $0x2800  }
0x66: {  	[sflag:s28] =	ssyncset.done $0x0  }
0x67: {  	s15 =	rddreg [dreg:$0xf];
	[sflag:s28] =	ssyncadd.s32 $0xFFFFD800  }
0x68: {  	[hbm4b:s15+s4] =	stream.linear.scatter [tilespmem:s26], [sflag:$0x5], $0x2800, $0x38;
	[tilespmem:$0x1C780] =	vst v63  }
0x69: {  	_ =	swait.ge [sflag:s28], $0x2800  }
0x6a: {  	s21 =	sld [smem:$0x7EF]  }
0x6b: {  	[sflag:s28] =	ssyncset.done $0x0  }
0x6c: {  	[sflag:s28] =	ssyncadd.s32 $0xFFFFD800  }
0x6d: {  	[tilespmem:s26], [sflag:$0x5] =	stream.linear.gather [spmem:s21], $0x2800, $0x38;
	[tilespmem:$0x1C780] =	vst v63  }
0x6e: {  	_ =	swait.ge [sflag:s28], $0x2800  }
0x6f: {  	[sflag:s28] =	ssyncset.done $0x0  }
0x70: {  	s15 =	rddreg [dreg:$0x10];
	[sflag:s28] =	ssyncadd.s32 $0xFFFFD800  }
0x71: {  	[hbm4b:s15+s4] =	stream.linear.scatter [tilespmem:s26], [sflag:$0x5], $0x2800, $0x38;
	[tilespmem:$0x1C780] =	vst v63  }
0x72: {  	_ =	swait.ge [sflag:s28], $0x2800  }
0x73: {  	[sflag:s28] =	ssyncset.done $0x0  }
0x74: {  	[sflag:s28] =	ssyncadd.s32 $0xFFFFD800  }
0x75: {  	[tilespmem:s26], [sflag:$0x5] =	stream.linear.gather [spmem:s18], $0x2800, $0x38;
	[tilespmem:$0x1C780] =	vst v63  }
0x76: {  	_ =	swait.ge [sflag:s28], $0x2800  }
0x77: {  	[sflag:s28] =	ssyncset.done $0x0  }
0x78: {  	s21 =	rddreg [dreg:$0x11];
	[sflag:s28] =	ssyncadd.s32 $0xFFFFD800  }
0x79: {  	[hbm4b:s21+s4] =	stream.linear.scatter [tilespmem:s26], [sflag:$0x5], $0x2800, $0x38;
	[tilespmem:$0x1C780] =	vst v63  }
0x7a: {  	_ =	swait.ge [sflag:s28], $0x2800  }
0x7b: {  	[sflag:s28] =	ssyncset.done $0x0  }
0x7c: {  	[sflag:s28] =	ssyncadd.s32 $0xFFFFD800  }
0x7d: {  	[tilespmem:s26], [sflag:$0x5] =	stream.linear.gather [spmem:s19], $0x2800, $0x38;
	[tilespmem:$0x1C780] =	vst v63  }
0x7e: {  	_ =	swait.ge [sflag:s28], $0x2800  }
0x7f: {  	[sflag:s28] =	ssyncset.done $0x0  }
0x80: {  	s15 =	rddreg [dreg:$0x12];
	[sflag:s28] =	ssyncadd.s32 $0xFFFFD800  }
0x81: {  	[hbm4b:s15+s4] =	stream.linear.scatter [tilespmem:s26], [sflag:$0x5], $0x2800, $0x38;
	[tilespmem:$0x1C780] =	vst v63  }
0x82: {  	_ =	swait.ge [sflag:s28], $0x2800  }
0x83: {  	[sflag:s28] =	ssyncset.done $0x0  }
0x84: {  	[sflag:s28] =	ssyncadd.s32 $0xFFFFD800  }
0x85: {  	[tilespmem:s26], [sflag:$0x5] =	stream.linear.gather [spmem:s20], $0x2800, $0x38;
	[tilespmem:$0x1C780] =	vst v63  }
0x86: {  	_ =	swait.ge [sflag:s28], $0x2800  }
0x87: {  	[sflag:s28] =	ssyncset.done $0x0  }
0x88: {  	s21 =	rddreg [dreg:$0x13];
	[sflag:s28] =	ssyncadd.s32 $0xFFFFD800  }
0x89: {  	[hbm4b:s21+s4] =	stream.linear.scatter [tilespmem:s26], [sflag:$0x5], $0x2800, $0x38;
	[tilespmem:$0x1C780] =	vst v63  }
0x8a: {  	_ =	swait.ge [sflag:s28], $0x2800  }
0x8b: {  	[sflag:s28] =	ssyncset.done $0x0  }
0x8c: {  	[sflag:s28] =	ssyncadd.s32 $0xFFFFD800  }
0x8d: {  	[tilespmem:s26], [sflag:$0x5] =	stream.linear.gather [spmem:s22], $0x2800, $0x38;
	[tilespmem:$0x1C780] =	vst v63  }
0x8e: {  	_ =	swait.ge [sflag:s28], $0x2800  }
0x8f: {  	[sflag:s28] =	ssyncset.done $0x0  }
0x90: {  	s15 =	rddreg [dreg:$0x14];
	[sflag:s28] =	ssyncadd.s32 $0xFFFFD800  }
0x91: {  	[hbm4b:s15+s4] =	stream.linear.scatter [tilespmem:s26], [sflag:$0x5], $0x2800, $0x38;
	[tilespmem:$0x1C780] =	vst v63  }
0x92: {  	_ =	swait.ge [sflag:s28], $0x2800  }
0x93: {  	[sflag:s28] =	ssyncset.done $0x0  }
0x94: {  	[sflag:s28] =	ssyncadd.s32 $0xFFFFD800  }
0x95: {  	[tilespmem:s26], [sflag:$0x5] =	stream.linear.gather [spmem:s23], $0x2800, $0x38;
	[tilespmem:$0x1C780] =	vst v63  }
0x96: {  	_ =	swait.ge [sflag:s28], $0x2800  }
0x97: {  	[sflag:s28] =	ssyncset.done $0x0  }
0x98: {  	s21 =	rddreg [dreg:$0x15];
	[sflag:s28] =	ssyncadd.s32 $0xFFFFD800  }
0x99: {  	[hbm4b:s21+s4] =	stream.linear.scatter [tilespmem:s26], [sflag:$0x5], $0x2800, $0x38;
	[tilespmem:$0x1C780] =	vst v63  }
0x9a: {  	_ =	swait.ge [sflag:s28], $0x2800  }
0x9b: {  	[sflag:s28] =	ssyncset.done $0x0  }
0x9c: {  	s21 =	simm.s32 $0x1C500;
	s15 =	rddreg [dreg:$0xd];
	[sflag:s28] =	ssyncadd.s32 $0xFFFFD800  }
0x9d: {  	[tilespmem:s21], [sflag:$0x5] =	stream.linear.gather [spmem:s15], $0x280, $0x38;
	[tilespmem:$0x1C780] =	vst v63  }
0x9e: {  	_ =	swait.ge [sflag:s28], $0x280  }
0x9f: {  	[sflag:s28] =	ssyncset.done $0x0  }
0xa0: {  	s12 =	rddreg [dreg:$0x9];
	[sflag:s28] =	ssyncadd.s32 $0xFFFFFD80  }
0xa1: {  	[hbm4b:s12+s4] =	stream.linear.scatter [tilespmem:s21], [sflag:$0x5], $0x280, $0x38;
	[tilespmem:$0x1C780] =	vst v63  }
0xa2: {  	_ =	swait.ge [sflag:s28], $0x280  }
0xa3: {  	[sflag:s28] =	ssyncset.done $0x0  }
0xa4: {  	s15 =	simm.s32 $0x1C500;
	[sflag:s28] =	ssyncadd.s32 $0xFFFFFD80  }
.LBB2_8:
0xa5: {  	s10 =	sadd.s32 $0x1, s10;
	s12 =	rddreg [dreg:$0xa]  }
0xa6: {  	p1 =	sne.s32 s10, s12  }
.Ltmp1:
0xa7: {  	_ = 	snop;
	(pc) =	sbr.rel @!p1 .LBB2_9-.Ltmp1, $1  }
0xa8: {  	_ =	sdelay $0x3  }
.LBB2_1:
.Ltmp2:
0xa9: {  	(pc) =	sbr.rel @!p0 .LBB2_5-.Ltmp2, $1  }
0xaa: {  	_ =	sdelay $0x3  }
0xab: {  	s12 =	rddreg [dreg:$0x17]  }
0xac: {  	[tilespmem:s26], [sflag:$0x5] =	stream.linear.gather [hbm4b:s12+s4], $0x2800, $0x38;
	[tilespmem:$0x1C780] =	vst v63  }
0xad: {  	_ =	swait.ge [sflag:s28], $0x2800  }
0xae: {  	[sflag:s28] =	ssyncset.done $0x0  }
0xaf: {  	[sflag:s28] =	ssyncadd.s32 $0xFFFFD800  }
0xb0: {  	[spmem:s13] =	stream.linear.scatter [tilespmem:s26], [sflag:$0x5], $0x2800, $0x38;
	[tilespmem:$0x1C780] =	vst v63  }
0xb1: {  	_ =	swait.ge [sflag:s28], $0x2800  }
0xb2: {  	[sflag:s28] =	ssyncset.done $0x0  }
0xb3: {  	s21 =	rddreg [dreg:$0x1a];
	[sflag:s28] =	ssyncadd.s32 $0xFFFFD800  }
0xb4: {  	[tilespmem:s26], [sflag:$0x5] =	stream.linear.gather [hbm4b:s21+s4], $0x2800, $0x38;
	[tilespmem:$0x1C780] =	vst v63  }
0xb5: {  	_ =	swait.ge [sflag:s28], $0x2800  }
0xb6: {  	[sflag:s28] =	ssyncset.done $0x0  }
0xb7: {  	[sflag:s28] =	ssyncadd.s32 $0xFFFFD800  }
0xb8: {  	[spmem:s14] =	stream.linear.scatter [tilespmem:s26], [sflag:$0x5], $0x2800, $0x38;
	[tilespmem:$0x1C780] =	vst v63  }
0xb9: {  	_ =	swait.ge [sflag:s28], $0x2800  }
0xba: {  	[sflag:s28] =	ssyncset.done $0x0  }
0xbb: {  	s13 =	rddreg [dreg:$0x1d];
	[sflag:s28] =	ssyncadd.s32 $0xFFFFD800  }
0xbc: {  	[tilespmem:s26], [sflag:$0x5] =	stream.linear.gather [hbm4b:s13+s4], $0x2800, $0x38;
	[tilespmem:$0x1C780] =	vst v63  }
0xbd: {  	_ =	swait.ge [sflag:s28], $0x2800  }
0xbe: {  	s14 =	sld [smem:$0x7EF]  }
0xbf: {  	[sflag:s28] =	ssyncset.done $0x0  }
0xc0: {  	[sflag:s28] =	ssyncadd.s32 $0xFFFFD800  }
0xc1: {  	[spmem:s14] =	stream.linear.scatter [tilespmem:s26], [sflag:$0x5], $0x2800, $0x38;
	[tilespmem:$0x1C780] =	vst v63  }
0xc2: {  	_ =	swait.ge [sflag:s28], $0x2800  }
0xc3: {  	s21 =	sld [smem:$0x7F0]  }
0xc4: {  	[sflag:s28] =	ssyncset.done $0x0  }
0xc5: {  	[sflag:s28] =	ssyncadd.s32 $0xFFFFD800  }
0xc6: {  	[tilespmem:s26], [sflag:$0x5] =	stream.linear.gather [hbm4b:s21+s4], $0x2800, $0x38;
	[tilespmem:$0x1C780] =	vst v63  }
0xc7: {  	_ =	swait.ge [sflag:s28], $0x2800  }
0xc8: {  	[sflag:s28] =	ssyncset.done $0x0  }
0xc9: {  	[sflag:s28] =	ssyncadd.s32 $0xFFFFD800  }
0xca: {  	[spmem:s18] =	stream.linear.scatter [tilespmem:s26], [sflag:$0x5], $0x2800, $0x38;
	[tilespmem:$0x1C780] =	vst v63  }
0xcb: {  	_ =	swait.ge [sflag:s28], $0x2800  }
0xcc: {  	s13 =	sld [smem:$0x7F3]  }
0xcd: {  	[sflag:s28] =	ssyncset.done $0x0  }
0xce: {  	[sflag:s28] =	ssyncadd.s32 $0xFFFFD800  }
0xcf: {  	[tilespmem:s26], [sflag:$0x5] =	stream.linear.gather [hbm4b:s13+s4], $0x2800, $0x38;
	[tilespmem:$0x1C780] =	vst v63  }
0xd0: {  	_ =	swait.ge [sflag:s28], $0x2800  }
0xd1: {  	[sflag:s28] =	ssyncset.done $0x0  }
0xd2: {  	[sflag:s28] =	ssyncadd.s32 $0xFFFFD800  }
0xd3: {  	[spmem:s19] =	stream.linear.scatter [tilespmem:s26], [sflag:$0x5], $0x2800, $0x38;
	[tilespmem:$0x1C780] =	vst v63  }
0xd4: {  	_ =	swait.ge [sflag:s28], $0x2800  }
0xd5: {  	s14 =	sld [smem:$0x7F6]  }
0xd6: {  	[sflag:s28] =	ssyncset.done $0x0  }
0xd7: {  	[sflag:s28] =	ssyncadd.s32 $0xFFFFD800  }
0xd8: {  	[tilespmem:s26], [sflag:$0x5] =	stream.linear.gather [hbm4b:s14+s4], $0x2800, $0x38;
	[tilespmem:$0x1C780] =	vst v63  }
0xd9: {  	_ =	swait.ge [sflag:s28], $0x2800  }
0xda: {  	[sflag:s28] =	ssyncset.done $0x0  }
0xdb: {  	[sflag:s28] =	ssyncadd.s32 $0xFFFFD800  }
0xdc: {  	[spmem:s20] =	stream.linear.scatter [tilespmem:s26], [sflag:$0x5], $0x2800, $0x38;
	[tilespmem:$0x1C780] =	vst v63  }
0xdd: {  	_ =	swait.ge [sflag:s28], $0x2800  }
0xde: {  	s21 =	sld [smem:$0x7F9]  }
0xdf: {  	[sflag:s28] =	ssyncset.done $0x0  }
0xe0: {  	[sflag:s28] =	ssyncadd.s32 $0xFFFFD800  }
0xe1: {  	[tilespmem:s26], [sflag:$0x5] =	stream.linear.gather [hbm4b:s21+s4], $0x2800, $0x38;
	[tilespmem:$0x1C780] =	vst v63  }
0xe2: {  	_ =	swait.ge [sflag:s28], $0x2800  }
0xe3: {  	[sflag:s28] =	ssyncset.done $0x0  }
0xe4: {  	[sflag:s28] =	ssyncadd.s32 $0xFFFFD800  }
0xe5: {  	[spmem:s22] =	stream.linear.scatter [tilespmem:s26], [sflag:$0x5], $0x2800, $0x38;
	[tilespmem:$0x1C780] =	vst v63  }
0xe6: {  	_ =	swait.ge [sflag:s28], $0x2800  }
0xe7: {  	s13 =	sld [smem:$0x7FD]  }
0xe8: {  	[sflag:s28] =	ssyncset.done $0x0  }
0xe9: {  	[sflag:s28] =	ssyncadd.s32 $0xFFFFD800  }
0xea: {  	[tilespmem:s26], [sflag:$0x5] =	stream.linear.gather [hbm4b:s13+s4], $0x2800, $0x38;
	[tilespmem:$0x1C780] =	vst v63  }
0xeb: {  	_ =	swait.ge [sflag:s28], $0x2800  }
0xec: {  	[sflag:s28] =	ssyncset.done $0x0  }
0xed: {  	[sflag:s28] =	ssyncadd.s32 $0xFFFFD800  }
0xee: {  	[spmem:s23] =	stream.linear.scatter [tilespmem:s26], [sflag:$0x5], $0x2800, $0x38;
	[tilespmem:$0x1C780] =	vst v63  }
0xef: {  	_ =	swait.ge [sflag:s28], $0x2800  }
0xf0: {  	[sflag:s28] =	ssyncset.done $0x0  }
0xf1: {  	[sflag:s28] =	ssyncadd.s32 $0xFFFFD800  }
0xf2: {  	[bflag:$0x0] =	sbarrier.arrive $0xFFFF  }
0xf3: {  	s14 =	rddreg [dreg:$0x5]  }
0xf4: {  	[tilespmem:s29], [sflag:$0x5] =	stream.linear.gather [hbm4b:s14+s4], $0x80, $0x38;
	[tilespmem:$0x1C780] =	vst v63  }
0xf5: {  	_ =	swait.ge [sflag:s28], $0x80  }
0xf6: {  	[sflag:s28] =	ssyncset.done $0x0  }
0xf7: {  	s21 =	rddreg [dreg:$0x6];
	[sflag:s28] =	ssyncadd.s32 $0xFFFFFF80  }
0xf8: {  	[tilespmem:s30], [sflag:$0x5] =	stream.linear.gather [hbm4b:s21+s4], $0x80, $0x38;
	[tilespmem:$0x1C780] =	vst v63  }
0xf9: {  	_ =	swait.ge [sflag:s28], $0x80  }
0xfa: {  	[sflag:s28] =	ssyncset.done $0x0  }
0xfb: {  	[sflag:s28] =	ssyncadd.s32 $0xFFFFFF80  }
0xfc: {  	[tilespmem:s26], [sflag:$0x1] =	stream.indirect.gather [hbm4b:s1+s31], $0x80, s29, s31, $0xb8;
	[tilespmem:$0x1C780] =	vst v63  }
0xfd: {  	s13 =	rddreg [dreg:$0x7]  }
0xfe: {  	[tilespmem:s0], [sflag:$0x4] =	stream.linear.gather [hbm4b:s13+s4], $0x80, $0x38;
	[tilespmem:$0x1C780] =	vst v63  }
0xff: {  	s14 =	rddreg [dreg:$0x8]  }
0x100: {  	[tilespmem:s5], [sflag:$0x4] =	stream.linear.gather [hbm4b:s14+s4], $0x80, $0x38;
	[tilespmem:$0x1C780] =	vst v63  }
0x101: {  	_ =	swait.ge [sflag:s11], $0x80  }
0x102: {  	[sflag:s11] =	ssyncset.done $0x0  }
0x103: {  	[sflag:s11] =	ssyncadd.s32 $0xFFFFFF80  }
0x104: {  	_ =	swait.ge [sflag:s11], $0x80  }
0x105: {  	[sflag:s11] =	ssyncset.done $0x0  }
0x106: {  	[sflag:s11] =	ssyncadd.s32 $0xFFFFFF80  }
0x107: {  	[tilespmem:s24], [sflag:$0x2] =	stream.indirect.gather [hbm4b:s1+s31], $0x80, s0, s31, $0xb8;
	[tilespmem:$0x1C780] =	vst v63  }
0x108: {  	_ =	swait.ge [sflag:s25], $0x4000  }
0x109: {  	[sflag:s25] =	ssyncset.done $0x0  }
0x10a: {  	[sflag:s25] =	ssyncadd.s32 $0xFFFFC000  }
0x10b: {  	[spmem:s2] =	stream.indirect.scatter.add.f32 [tilespmem:s26], [sflag:$0x5], $0x80, s30, s31, $0xb8;
	[tilespmem:$0x1C780] =	vst v63  }
0x10c: {  	_ =	swait.ge [sflag:s28], $0x4000  }
0x10d: {  	s12 =	sadd.s32 $0xFFFFFB20, s17;
	[sflag:s28] =	ssyncset.done $0x0  }
0x10e: {  	s21 =	sadd.s32 $0x500, s12;
	s14 =	sadd.s32 $0xFFFFFB20, s16;
	[sflag:s28] =	ssyncadd.s32 $0xFFFFC000  }
0x10f: {  	[tilespmem:s29], [sflag:$0x3] =	stream.linear.gather [hbm4b:s21+s4], $0x80, $0x38;
	[tilespmem:$0x1C780] =	vst v63  }
0x110: {  	s21 =	sadd.s32 $0x500, s14  }
0x111: {  	[tilespmem:s30], [sflag:$0x3] =	stream.linear.gather [hbm4b:s21+s4], $0x80, $0x38;
	[tilespmem:$0x1C780] =	vst v63  }
0x112: {  	_ =	swait.ge [sflag:s7], $0x4000  }
0x113: {  	[sflag:s7] =	ssyncset.done $0x0  }
0x114: {  	[sflag:s7] =	ssyncadd.s32 $0xFFFFC000  }
0x115: {  	[spmem:s2] =	stream.indirect.scatter.add.f32 [tilespmem:s24], [sflag:$0x5], $0x80, s5, s31, $0xb8;
	[tilespmem:$0x1C780] =	vst v63  }
0x116: {  	_ =	swait.ge [sflag:s28], $0x4000  }
0x117: {  	[sflag:s28] =	ssyncset.done $0x0  }
0x118: {  	s12 =	sadd.s32 $0x510, s12;
	[sflag:s28] =	ssyncadd.s32 $0xFFFFC000  }
0x119: {  	[tilespmem:s0], [sflag:$0x4] =	stream.linear.gather [hbm4b:s12+s4], $0x80, $0x38;
	[tilespmem:$0x1C780] =	vst v63  }
0x11a: {  	s21 =	sadd.s32 $0x510, s14  }
0x11b: {  	[tilespmem:s5], [sflag:$0x4] =	stream.linear.gather [hbm4b:s21+s4], $0x80, $0x38;
	[tilespmem:$0x1C780] =	vst v63  }
0x11c: {  	_ =	swait.ge [sflag:s8], $0x80  }
0x11d: {  	[sflag:s8] =	ssyncset.done $0x0  }
0x11e: {  	[sflag:s8] =	ssyncadd.s32 $0xFFFFFF80  }
0x11f: {  	_ =	swait.ge [sflag:s8], $0x80  }
0x120: {  	[sflag:s8] =	ssyncset.done $0x0  }
0x121: {  	s12 =	simm.s32 $0xFFFFFB40;
	[sflag:s8] =	ssyncadd.s32 $0xFFFFFF80  }
.LBB2_3:
0x122: {  	[tilespmem:s26], [sflag:$0x1] =	stream.indirect.gather [hbm4b:s1+s31], $0x80, s29, s31, $0xb8;
	[tilespmem:$0x1C780] =	vst v63  }
0x123: {  	s13 =	smov.u32 s12  }
0x124: {  	p1 =	sne.s32 s12, $0xFFFFFFE0;
	s12 =	sadd.s32 $0x20, s12;
	_ =	swait.ge [sflag:s11], $0x80  }
0x125: {  	[sflag:s11] =	ssyncset.done $0x0  }
0x126: {  	[sflag:s11] =	ssyncadd.s32 $0xFFFFFF80  }
0x127: {  	_ =	swait.ge [sflag:s11], $0x80  }
0x128: {  	[sflag:s11] =	ssyncset.done $0x0  }
0x129: {  	[sflag:s11] =	ssyncadd.s32 $0xFFFFFF80  }
0x12a: {  	[tilespmem:s24], [sflag:$0x2] =	stream.indirect.gather [hbm4b:s1+s31], $0x80, s0, s31, $0xb8;
	[tilespmem:$0x1C780] =	vst v63  }
0x12b: {  	_ =	swait.ge [sflag:s25], $0x4000  }
0x12c: {  	[sflag:s25] =	ssyncset.done $0x0  }
0x12d: {  	[sflag:s25] =	ssyncadd.s32 $0xFFFFC000  }
0x12e: {  	[spmem:s2] =	stream.indirect.scatter.add.f32 [tilespmem:s26], [sflag:$0x5], $0x80, s30, s31, $0xb8;
	[tilespmem:$0x1C780] =	vst v63  }
0x12f: {  	_ =	swait.ge [sflag:s28], $0x4000  }
0x130: {  	s14 =	sadd.s32 s13, s17;
	[sflag:s28] =	ssyncset.done $0x0  }
0x131: {  	s13 =	sadd.s32 s13, s16;
	s21 =	sadd.s32 $0x500, s14;
	[sflag:s28] =	ssyncadd.s32 $0xFFFFC000  }
0x132: {  	[tilespmem:s29], [sflag:$0x3] =	stream.linear.gather [hbm4b:s21+s4], $0x80, $0x38;
	[tilespmem:$0x1C780] =	vst v63  }
0x133: {  	s21 =	sadd.s32 $0x500, s13  }
0x134: {  	[tilespmem:s30], [sflag:$0x3] =	stream.linear.gather [hbm4b:s21+s4], $0x80, $0x38;
	[tilespmem:$0x1C780] =	vst v63  }
0x135: {  	_ =	swait.ge [sflag:s7], $0x4000  }
0x136: {  	[sflag:s7] =	ssyncset.done $0x0  }
0x137: {  	[sflag:s7] =	ssyncadd.s32 $0xFFFFC000  }
0x138: {  	[spmem:s2] =	stream.indirect.scatter.add.f32 [tilespmem:s24], [sflag:$0x5], $0x80, s5, s31, $0xb8;
	[tilespmem:$0x1C780] =	vst v63  }
0x139: {  	_ =	swait.ge [sflag:s28], $0x4000  }
0x13a: {  	[sflag:s28] =	ssyncset.done $0x0  }
0x13b: {  	s14 =	sadd.s32 $0x510, s14;
	[sflag:s28] =	ssyncadd.s32 $0xFFFFC000  }
0x13c: {  	[tilespmem:s0], [sflag:$0x4] =	stream.linear.gather [hbm4b:s14+s4], $0x80, $0x38;
	[tilespmem:$0x1C780] =	vst v63  }
0x13d: {  	s13 =	sadd.s32 $0x510, s13  }
0x13e: {  	[tilespmem:s5], [sflag:$0x4] =	stream.linear.gather [hbm4b:s13+s4], $0x80, $0x38;
	[tilespmem:$0x1C780] =	vst v63  }
0x13f: {  	_ =	swait.ge [sflag:s8], $0x80  }
.Ltmp3:
0x140: {  	[sflag:s8] =	ssyncset.done $0x0;
	(pc) =	sbr.rel @p1 .LBB2_3-.Ltmp3, $4  }
0x141: {  	[sflag:s8] =	ssyncadd.s32 $0xFFFFFF80  }
0x142: {  	_ =	swait.ge [sflag:s8], $0x80  }
0x143: {  	[sflag:s8] =	ssyncset.done $0x0  }
0x144: {  	[sflag:s8] =	ssyncadd.s32 $0xFFFFFF80  }
0x145: {  	[tilespmem:s26], [sflag:$0x1] =	stream.indirect.gather [hbm4b:s1+s31], $0x80, s29, s31, $0xb8;
	[tilespmem:$0x1C780] =	vst v63  }
0x146: {  	_ =	swait.ge [sflag:s11], $0x80  }
0x147: {  	[sflag:s11] =	ssyncset.done $0x0  }
0x148: {  	[sflag:s11] =	ssyncadd.s32 $0xFFFFFF80  }
0x149: {  	_ =	swait.ge [sflag:s11], $0x80  }
0x14a: {  	[sflag:s11] =	ssyncset.done $0x0  }
0x14b: {  	[sflag:s11] =	ssyncadd.s32 $0xFFFFFF80  }
0x14c: {  	[tilespmem:s24], [sflag:$0x2] =	stream.indirect.gather [hbm4b:s1+s31], $0x80, s0, s31, $0xb8;
	[tilespmem:$0x1C780] =	vst v63  }
0x14d: {  	_ =	swait.ge [sflag:s25], $0x4000  }
0x14e: {  	[sflag:s25] =	ssyncset.done $0x0  }
0x14f: {  	[sflag:s25] =	ssyncadd.s32 $0xFFFFC000  }
0x150: {  	[spmem:s2] =	stream.indirect.scatter.add.f32 [tilespmem:s26], [sflag:$0x5], $0x80, s30, s31, $0xb8;
	[tilespmem:$0x1C780] =	vst v63  }
0x151: {  	_ =	swait.ge [sflag:s28], $0x4000  }
0x152: {  	[sflag:s28] =	ssyncset.done $0x0  }
0x153: {  	[sflag:s28] =	ssyncadd.s32 $0xFFFFC000  }
0x154: {  	_ =	swait.ge [sflag:s7], $0x4000  }
0x155: {  	[sflag:s7] =	ssyncset.done $0x0  }
0x156: {  	[sflag:s7] =	ssyncadd.s32 $0xFFFFC000  }
0x157: {  	[spmem:s2] =	stream.indirect.scatter.add.f32 [tilespmem:s24], [sflag:$0x5], $0x80, s5, s31, $0xb8;
	[tilespmem:$0x1C780] =	vst v63  }
0x158: {  	_ =	swait.ge [sflag:s28], $0x4000  }
0x159: {  	[sflag:s28] =	ssyncset.done $0x0  }
0x15a: {  	[sflag:s28] =	ssyncadd.s32 $0xFFFFC000  }
0x15b: {  	[bflag:$0x0] =	sbarrier.arrive $0xFFFF  }
0x15c: {  	s13 =	rddreg [dreg:$0xb]  }
0x15d: {  	[tilespmem:s26], [sflag:$0x5] =	stream.linear.gather [spmem:s13], $0x2800, $0x38;
	[tilespmem:$0x1C780] =	vst v63  }
0x15e: {  	_ =	swait.ge [sflag:s28], $0x2800  }
0x15f: {  	[sflag:s28] =	ssyncset.done $0x0  }
0x160: {  	s12 =	rddreg [dreg:$0x18];
	[sflag:s28] =	ssyncadd.s32 $0xFFFFD800  }
0x161: {  	[hbm4b:s12+s4] =	stream.linear.scatter [tilespmem:s26], [sflag:$0x5], $0x2800, $0x38;
	[tilespmem:$0x1C780] =	vst v63  }
0x162: {  	_ =	swait.ge [sflag:s28], $0x2800  }
0x163: {  	[sflag:s28] =	ssyncset.done $0x0  }
0x164: {  	s14 =	rddreg [dreg:$0xc];
	[sflag:s28] =	ssyncadd.s32 $0xFFFFD800  }
0x165: {  	[tilespmem:s26], [sflag:$0x5] =	stream.linear.gather [spmem:s14], $0x2800, $0x38;
	[tilespmem:$0x1C780] =	vst v63  }
0x166: {  	_ =	swait.ge [sflag:s28], $0x2800  }
0x167: {  	[sflag:s28] =	ssyncset.done $0x0  }
0x168: {  	s21 =	rddreg [dreg:$0x1b];
	[sflag:s28] =	ssyncadd.s32 $0xFFFFD800  }
0x169: {  	[hbm4b:s21+s4] =	stream.linear.scatter [tilespmem:s26], [sflag:$0x5], $0x2800, $0x38;
	[tilespmem:$0x1C780] =	vst v63  }
0x16a: {  	_ =	swait.ge [sflag:s28], $0x2800  }
0x16b: {  	s21 =	sld [smem:$0x7EF]  }
0x16c: {  	[sflag:s28] =	ssyncset.done $0x0  }
0x16d: {  	[sflag:s28] =	ssyncadd.s32 $0xFFFFD800  }
0x16e: {  	[tilespmem:s26], [sflag:$0x5] =	stream.linear.gather [spmem:s21], $0x2800, $0x38;
	[tilespmem:$0x1C780] =	vst v63  }
0x16f: {  	_ =	swait.ge [sflag:s28], $0x2800  }
0x170: {  	[sflag:s28] =	ssyncset.done $0x0  }
0x171: {  	s21 =	rddreg [dreg:$0x1e];
	[sflag:s28] =	ssyncadd.s32 $0xFFFFD800  }
0x172: {  	[hbm4b:s21+s4] =	stream.linear.scatter [tilespmem:s26], [sflag:$0x5], $0x2800, $0x38;
	[tilespmem:$0x1C780] =	vst v63  }
0x173: {  	_ =	swait.ge [sflag:s28], $0x2800  }
0x174: {  	[sflag:s28] =	ssyncset.done $0x0  }
0x175: {  	[sflag:s28] =	ssyncadd.s32 $0xFFFFD800  }
0x176: {  	[tilespmem:s26], [sflag:$0x5] =	stream.linear.gather [spmem:s18], $0x2800, $0x38;
	[tilespmem:$0x1C780] =	vst v63  }
0x177: {  	_ =	swait.ge [sflag:s28], $0x2800  }
0x178: {  	s21 =	sld [smem:$0x7F1]  }
0x179: {  	[sflag:s28] =	ssyncset.done $0x0  }
0x17a: {  	[sflag:s28] =	ssyncadd.s32 $0xFFFFD800  }
0x17b: {  	[hbm4b:s21+s4] =	stream.linear.scatter [tilespmem:s26], [sflag:$0x5], $0x2800, $0x38;
	[tilespmem:$0x1C780] =	vst v63  }
0x17c: {  	_ =	swait.ge [sflag:s28], $0x2800  }
0x17d: {  	[sflag:s28] =	ssyncset.done $0x0  }
0x17e: {  	[sflag:s28] =	ssyncadd.s32 $0xFFFFD800  }
0x17f: {  	[tilespmem:s26], [sflag:$0x5] =	stream.linear.gather [spmem:s19], $0x2800, $0x38;
	[tilespmem:$0x1C780] =	vst v63  }
0x180: {  	_ =	swait.ge [sflag:s28], $0x2800  }
0x181: {  	s21 =	sld [smem:$0x7F4]  }
0x182: {  	[sflag:s28] =	ssyncset.done $0x0  }
0x183: {  	[sflag:s28] =	ssyncadd.s32 $0xFFFFD800  }
0x184: {  	[hbm4b:s21+s4] =	stream.linear.scatter [tilespmem:s26], [sflag:$0x5], $0x2800, $0x38;
	[tilespmem:$0x1C780] =	vst v63  }
0x185: {  	_ =	swait.ge [sflag:s28], $0x2800  }
0x186: {  	[sflag:s28] =	ssyncset.done $0x0  }
0x187: {  	[sflag:s28] =	ssyncadd.s32 $0xFFFFD800  }
0x188: {  	[tilespmem:s26], [sflag:$0x5] =	stream.linear.gather [spmem:s20], $0x2800, $0x38;
	[tilespmem:$0x1C780] =	vst v63  }
0x189: {  	_ =	swait.ge [sflag:s28], $0x2800  }
0x18a: {  	s21 =	sld [smem:$0x7F7]  }
0x18b: {  	[sflag:s28] =	ssyncset.done $0x0  }
0x18c: {  	[sflag:s28] =	ssyncadd.s32 $0xFFFFD800  }
0x18d: {  	[hbm4b:s21+s4] =	stream.linear.scatter [tilespmem:s26], [sflag:$0x5], $0x2800, $0x38;
	[tilespmem:$0x1C780] =	vst v63  }
0x18e: {  	_ =	swait.ge [sflag:s28], $0x2800  }
0x18f: {  	[sflag:s28] =	ssyncset.done $0x0  }
0x190: {  	[sflag:s28] =	ssyncadd.s32 $0xFFFFD800  }
0x191: {  	[tilespmem:s26], [sflag:$0x5] =	stream.linear.gather [spmem:s22], $0x2800, $0x38;
	[tilespmem:$0x1C780] =	vst v63  }
0x192: {  	_ =	swait.ge [sflag:s28], $0x2800  }
0x193: {  	s21 =	sld [smem:$0x7FA]  }
0x194: {  	[sflag:s28] =	ssyncset.done $0x0  }
0x195: {  	[sflag:s28] =	ssyncadd.s32 $0xFFFFD800  }
0x196: {  	[hbm4b:s21+s4] =	stream.linear.scatter [tilespmem:s26], [sflag:$0x5], $0x2800, $0x38;
	[tilespmem:$0x1C780] =	vst v63  }
0x197: {  	_ =	swait.ge [sflag:s28], $0x2800  }
0x198: {  	[sflag:s28] =	ssyncset.done $0x0  }
0x199: {  	[sflag:s28] =	ssyncadd.s32 $0xFFFFD800  }
0x19a: {  	[tilespmem:s26], [sflag:$0x5] =	stream.linear.gather [spmem:s23], $0x2800, $0x38;
	[tilespmem:$0x1C780] =	vst v63  }
0x19b: {  	_ =	swait.ge [sflag:s28], $0x2800  }
0x19c: {  	s21 =	sld [smem:$0x7FB]  }
0x19d: {  	[sflag:s28] =	ssyncset.done $0x0  }
.Ltmp4:
0x19e: {  	[sflag:s28] =	ssyncadd.s32 $0xFFFFD800;
	(pc) =	sbr.rel .LBB2_8-.Ltmp4, $4  }
0x19f: {  	[hbm4b:s21+s4] =	stream.linear.scatter [tilespmem:s26], [sflag:$0x5], $0x2800, $0x38;
	[tilespmem:$0x1C780] =	vst v63  }
0x1a0: {  	_ =	swait.ge [sflag:s28], $0x2800  }
0x1a1: {  	[sflag:s28] =	ssyncset.done $0x0  }
0x1a2: {  	[sflag:s28] =	ssyncadd.s32 $0xFFFFD800  }
.LBB2_5:
0x1a3: {  	[tilespmem:$0x1C480] =	vst v0  }
0x1a4: {  	[tilespmem:$0x1C490] =	vst v0  }
0x1a5: {  	[tilespmem:$0x1C4A0] =	vst v0  }
0x1a6: {  	[tilespmem:$0x1C4B0] =	vst v0  }
0x1a7: {  	[tilespmem:$0x1C4C0] =	vst v0  }
0x1a8: {  	[tilespmem:$0x1C4D0] =	vst v0  }
0x1a9: {  	[tilespmem:$0x1C4E0] =	vst v0  }
0x1aa: {  	[tilespmem:$0x1C4F0] =	vst v0  }
0x1ab: {  	[tilespmem:$0x1C500] =	vst v0  }
0x1ac: {  	[tilespmem:$0x1C510] =	vst v0  }
0x1ad: {  	[tilespmem:$0x1C520] =	vst v0  }
0x1ae: {  	[tilespmem:$0x1C530] =	vst v0  }
0x1af: {  	[tilespmem:$0x1C540] =	vst v0  }
0x1b0: {  	[tilespmem:$0x1C550] =	vst v0  }
0x1b1: {  	[tilespmem:$0x1C560] =	vst v0  }
0x1b2: {  	[tilespmem:$0x1C570] =	vst v0  }
0x1b3: {  	[tilespmem:$0x1C580] =	vst v0  }
0x1b4: {  	[tilespmem:$0x1C590] =	vst v0  }
0x1b5: {  	[tilespmem:$0x1C5A0] =	vst v0  }
0x1b6: {  	[tilespmem:$0x1C5B0] =	vst v0  }
0x1b7: {  	[tilespmem:$0x1C5C0] =	vst v0  }
0x1b8: {  	[tilespmem:$0x1C5D0] =	vst v0  }
0x1b9: {  	[tilespmem:$0x1C5E0] =	vst v0  }
0x1ba: {  	[tilespmem:$0x1C5F0] =	vst v0  }
0x1bb: {  	[tilespmem:$0x1C600] =	vst v0  }
0x1bc: {  	[tilespmem:$0x1C610] =	vst v0  }
0x1bd: {  	[tilespmem:$0x1C620] =	vst v0  }
0x1be: {  	[tilespmem:$0x1C630] =	vst v0  }
0x1bf: {  	[tilespmem:$0x1C640] =	vst v0  }
0x1c0: {  	[tilespmem:$0x1C650] =	vst v0  }
0x1c1: {  	[tilespmem:$0x1C660] =	vst v0  }
0x1c2: {  	[tilespmem:$0x1C670] =	vst v0  }
0x1c3: {  	[tilespmem:$0x1C680] =	vst v0  }
0x1c4: {  	[tilespmem:$0x1C690] =	vst v0  }
0x1c5: {  	[tilespmem:$0x1C6A0] =	vst v0  }
0x1c6: {  	[tilespmem:$0x1C6B0] =	vst v0  }
0x1c7: {  	[tilespmem:$0x1C6C0] =	vst v0  }
0x1c8: {  	[tilespmem:$0x1C6D0] =	vst v0  }
0x1c9: {  	[tilespmem:$0x1C6E0] =	vst v0  }
0x1ca: {  	[tilespmem:$0x1C6F0] =	vst v0  }
0x1cb: {  	[tilespmem:$0x1C700] =	vst v0  }
0x1cc: {  	[tilespmem:$0x1C710] =	vst v0  }
0x1cd: {  	[tilespmem:$0x1C720] =	vst v0  }
0x1ce: {  	[tilespmem:$0x1C730] =	vst v0  }
0x1cf: {  	[tilespmem:$0x1C740] =	vst v0  }
0x1d0: {  	[tilespmem:$0x1C750] =	vst v0  }
0x1d1: {  	[tilespmem:$0x1C760] =	vst v0  }
0x1d2: {  	[tilespmem:$0x1C770] =	vst v0;
	s12 =	rddreg [dreg:$0xd]  }
0x1d3: {  	[spmem:s12] =	stream.linear.scatter [tilespmem:s15], [sflag:$0x5], $0x280, $0x38;
	[tilespmem:$0x1C780] =	vst v63  }
0x1d4: {  	_ =	swait.ge [sflag:s28], $0x280  }
0x1d5: {  	[sflag:s28] =	ssyncset.done $0x0  }
0x1d6: {  	s21 =	rddreg [dreg:$0x16];
	[sflag:s28] =	ssyncadd.s32 $0xFFFFFD80  }
0x1d7: {  	[tilespmem:s26], [sflag:$0x5] =	stream.linear.gather [hbm4b:s21+s4], $0x2800, $0x38;
	[tilespmem:$0x1C780] =	vst v63  }
0x1d8: {  	_ =	swait.ge [sflag:s28], $0x2800  }
0x1d9: {  	[sflag:s28] =	ssyncset.done $0x0  }
0x1da: {  	[sflag:s28] =	ssyncadd.s32 $0xFFFFD800  }
0x1db: {  	[spmem:s13] =	stream.linear.scatter [tilespmem:s26], [sflag:$0x5], $0x2800, $0x38;
	[tilespmem:$0x1C780] =	vst v63  }
0x1dc: {  	_ =	swait.ge [sflag:s28], $0x2800  }
0x1dd: {  	[sflag:s28] =	ssyncset.done $0x0  }
0x1de: {  	s13 =	rddreg [dreg:$0x19];
	[sflag:s28] =	ssyncadd.s32 $0xFFFFD800  }
0x1df: {  	[tilespmem:s26], [sflag:$0x5] =	stream.linear.gather [hbm4b:s13+s4], $0x2800, $0x38;
	[tilespmem:$0x1C780] =	vst v63  }
0x1e0: {  	_ =	swait.ge [sflag:s28], $0x2800  }
0x1e1: {  	[sflag:s28] =	ssyncset.done $0x0  }
0x1e2: {  	[sflag:s28] =	ssyncadd.s32 $0xFFFFD800  }
0x1e3: {  	[spmem:s14] =	stream.linear.scatter [tilespmem:s26], [sflag:$0x5], $0x2800, $0x38;
	[tilespmem:$0x1C780] =	vst v63  }
0x1e4: {  	_ =	swait.ge [sflag:s28], $0x2800  }
0x1e5: {  	[sflag:s28] =	ssyncset.done $0x0  }
0x1e6: {  	s14 =	rddreg [dreg:$0x1c];
	[sflag:s28] =	ssyncadd.s32 $0xFFFFD800  }
0x1e7: {  	[tilespmem:s26], [sflag:$0x5] =	stream.linear.gather [hbm4b:s14+s4], $0x2800, $0x38;
	[tilespmem:$0x1C780] =	vst v63  }
0x1e8: {  	_ =	swait.ge [sflag:s28], $0x2800  }
0x1e9: {  	s15 =	sld [smem:$0x7EF]  }
0x1ea: {  	[sflag:s28] =	ssyncset.done $0x0  }
0x1eb: {  	[sflag:s28] =	ssyncadd.s32 $0xFFFFD800  }
0x1ec: {  	[spmem:s15] =	stream.linear.scatter [tilespmem:s26], [sflag:$0x5], $0x2800, $0x38;
	[tilespmem:$0x1C780] =	vst v63  }
0x1ed: {  	_ =	swait.ge [sflag:s28], $0x2800  }
0x1ee: {  	[sflag:s28] =	ssyncset.done $0x0  }
0x1ef: {  	s21 =	rddreg [dreg:$0x1f];
	[sflag:s28] =	ssyncadd.s32 $0xFFFFD800  }
0x1f0: {  	[tilespmem:s26], [sflag:$0x5] =	stream.linear.gather [hbm4b:s21+s4], $0x2800, $0x38;
	[tilespmem:$0x1C780] =	vst v63  }
0x1f1: {  	_ =	swait.ge [sflag:s28], $0x2800  }
0x1f2: {  	[sflag:s28] =	ssyncset.done $0x0  }
0x1f3: {  	[sflag:s28] =	ssyncadd.s32 $0xFFFFD800  }
0x1f4: {  	[spmem:s18] =	stream.linear.scatter [tilespmem:s26], [sflag:$0x5], $0x2800, $0x38;
	[tilespmem:$0x1C780] =	vst v63  }
0x1f5: {  	_ =	swait.ge [sflag:s28], $0x2800  }
0x1f6: {  	s13 =	sld [smem:$0x7F2]  }
0x1f7: {  	[sflag:s28] =	ssyncset.done $0x0  }
0x1f8: {  	[sflag:s28] =	ssyncadd.s32 $0xFFFFD800  }
0x1f9: {  	[tilespmem:s26], [sflag:$0x5] =	stream.linear.gather [hbm4b:s13+s4], $0x2800, $0x38;
	[tilespmem:$0x1C780] =	vst v63  }
0x1fa: {  	_ =	swait.ge [sflag:s28], $0x2800  }
0x1fb: {  	[sflag:s28] =	ssyncset.done $0x0  }
0x1fc: {  	[sflag:s28] =	ssyncadd.s32 $0xFFFFD800  }
0x1fd: {  	[spmem:s19] =	stream.linear.scatter [tilespmem:s26], [sflag:$0x5], $0x2800, $0x38;
	[tilespmem:$0x1C780] =	vst v63  }
0x1fe: {  	_ =	swait.ge [sflag:s28], $0x2800  }
0x1ff: {  	s14 =	sld [smem:$0x7F5]  }
0x200: {  	[sflag:s28] =	ssyncset.done $0x0  }
0x201: {  	[sflag:s28] =	ssyncadd.s32 $0xFFFFD800  }
0x202: {  	[tilespmem:s26], [sflag:$0x5] =	stream.linear.gather [hbm4b:s14+s4], $0x2800, $0x38;
	[tilespmem:$0x1C780] =	vst v63  }
0x203: {  	_ =	swait.ge [sflag:s28], $0x2800  }
0x204: {  	[sflag:s28] =	ssyncset.done $0x0  }
0x205: {  	[sflag:s28] =	ssyncadd.s32 $0xFFFFD800  }
0x206: {  	[spmem:s20] =	stream.linear.scatter [tilespmem:s26], [sflag:$0x5], $0x2800, $0x38;
	[tilespmem:$0x1C780] =	vst v63  }
0x207: {  	_ =	swait.ge [sflag:s28], $0x2800  }
0x208: {  	s15 =	sld [smem:$0x7F8]  }
0x209: {  	[sflag:s28] =	ssyncset.done $0x0  }
0x20a: {  	[sflag:s28] =	ssyncadd.s32 $0xFFFFD800  }
0x20b: {  	[tilespmem:s26], [sflag:$0x5] =	stream.linear.gather [hbm4b:s15+s4], $0x2800, $0x38;
	[tilespmem:$0x1C780] =	vst v63  }
0x20c: {  	_ =	swait.ge [sflag:s28], $0x2800  }
0x20d: {  	[sflag:s28] =	ssyncset.done $0x0  }
0x20e: {  	[sflag:s28] =	ssyncadd.s32 $0xFFFFD800  }
0x20f: {  	[spmem:s22] =	stream.linear.scatter [tilespmem:s26], [sflag:$0x5], $0x2800, $0x38;
	[tilespmem:$0x1C780] =	vst v63  }
0x210: {  	_ =	swait.ge [sflag:s28], $0x2800  }
0x211: {  	s21 =	sld [smem:$0x7FC]  }
0x212: {  	[sflag:s28] =	ssyncset.done $0x0  }
0x213: {  	[sflag:s28] =	ssyncadd.s32 $0xFFFFD800  }
0x214: {  	[tilespmem:s26], [sflag:$0x5] =	stream.linear.gather [hbm4b:s21+s4], $0x2800, $0x38;
	[tilespmem:$0x1C780] =	vst v63  }
0x215: {  	_ =	swait.ge [sflag:s28], $0x2800  }
0x216: {  	[sflag:s28] =	ssyncset.done $0x0  }
0x217: {  	[sflag:s28] =	ssyncadd.s32 $0xFFFFD800  }
0x218: {  	[spmem:s23] =	stream.linear.scatter [tilespmem:s26], [sflag:$0x5], $0x2800, $0x38;
	[tilespmem:$0x1C780] =	vst v63  }
0x219: {  	_ =	swait.ge [sflag:s28], $0x2800  }
0x21a: {  	[sflag:s28] =	ssyncset.done $0x0  }
0x21b: {  	[sflag:s28] =	ssyncadd.s32 $0xFFFFD800  }
0x21c: {  	[bflag:$0x0] =	sbarrier.arrive $0xFFFF  }
0x21d: {  	s13 =	rddreg [dreg:$0x5]  }
0x21e: {  	[tilespmem:s29], [sflag:$0x5] =	stream.linear.gather [hbm4b:s13+s4], $0x80, $0x38;
	[tilespmem:$0x1C780] =	vst v63  }
0x21f: {  	_ =	swait.ge [sflag:s28], $0x80  }
0x220: {  	[sflag:s28] =	ssyncset.done $0x0  }
0x221: {  	s14 =	rddreg [dreg:$0x6];
	[sflag:s28] =	ssyncadd.s32 $0xFFFFFF80  }
0x222: {  	[tilespmem:s30], [sflag:$0x5] =	stream.linear.gather [hbm4b:s14+s4], $0x80, $0x38;
	[tilespmem:$0x1C780] =	vst v63  }
0x223: {  	_ =	swait.ge [sflag:s28], $0x80  }
0x224: {  	[sflag:s28] =	ssyncset.done $0x0  }
0x225: {  	[sflag:s28] =	ssyncadd.s32 $0xFFFFFF80  }
0x226: {  	[tilespmem:s26], [sflag:$0x1] =	stream.indirect.gather [hbm4b:s6+s31], $0x80, s29, s31, $0xb8;
	[tilespmem:$0x1C780] =	vst v63  }
0x227: {  	s15 =	rddreg [dreg:$0x7]  }
0x228: {  	[tilespmem:s0], [sflag:$0x4] =	stream.linear.gather [hbm4b:s15+s4], $0x80, $0x38;
	[tilespmem:$0x1C780] =	vst v63  }
0x229: {  	s21 =	rddreg [dreg:$0x8]  }
0x22a: {  	[tilespmem:s5], [sflag:$0x4] =	stream.linear.gather [hbm4b:s21+s4], $0x80, $0x38;
	[tilespmem:$0x1C780] =	vst v63  }
0x22b: {  	_ =	swait.ge [sflag:s11], $0x80  }
0x22c: {  	[sflag:s11] =	ssyncset.done $0x0  }
0x22d: {  	[sflag:s11] =	ssyncadd.s32 $0xFFFFFF80  }
0x22e: {  	_ =	swait.ge [sflag:s11], $0x80  }
0x22f: {  	[sflag:s11] =	ssyncset.done $0x0  }
0x230: {  	[sflag:s11] =	ssyncadd.s32 $0xFFFFFF80  }
0x231: {  	[tilespmem:s24], [sflag:$0x2] =	stream.indirect.gather [hbm4b:s6+s31], $0x80, s0, s31, $0xb8;
	[tilespmem:$0x1C780] =	vst v63  }
0x232: {  	_ =	swait.ge [sflag:s25], $0x4000  }
0x233: {  	[sflag:s25] =	ssyncset.done $0x0  }
0x234: {  	[sflag:s25] =	ssyncadd.s32 $0xFFFFC000  }
0x235: {  	[spmem:s2] =	stream.indirect.scatter.add.f32 [tilespmem:s26], [sflag:$0x5], $0x80, s30, s31, $0xb8;
	[tilespmem:$0x1C780] =	vst v63  }
0x236: {  	_ =	swait.ge [sflag:s28], $0x4000  }
0x237: {  	[sflag:s28] =	ssyncset.done $0x0  }
0x238: {  	[sflag:s28] =	ssyncadd.s32 $0xFFFFC000  }
0x239: {  	[spmem:s3] =	stream.indirect.scatter.add.f32 [tilespmem:s9], [sflag:$0x5], $0x1, s30, s31, $0xb8;
	[tilespmem:$0x1C780] =	vst v63  }
0x23a: {  	_ =	swait.ge [sflag:s28], $0x80  }
0x23b: {  	s13 =	sadd.s32 $0xFFFFFB20, s17;
	[sflag:s28] =	ssyncset.done $0x0  }
0x23c: {  	s14 =	sadd.s32 $0xFFFFFB20, s16;
	s21 =	sadd.s32 $0x500, s13;
	[sflag:s28] =	ssyncadd.s32 $0xFFFFFF80  }
0x23d: {  	[tilespmem:s29], [sflag:$0x3] =	stream.linear.gather [hbm4b:s21+s4], $0x80, $0x38;
	[tilespmem:$0x1C780] =	vst v63  }
0x23e: {  	s15 =	sadd.s32 $0x500, s14  }
0x23f: {  	[tilespmem:s30], [sflag:$0x3] =	stream.linear.gather [hbm4b:s15+s4], $0x80, $0x38;
	[tilespmem:$0x1C780] =	vst v63  }
0x240: {  	_ =	swait.ge [sflag:s7], $0x4000  }
0x241: {  	[sflag:s7] =	ssyncset.done $0x0  }
0x242: {  	[sflag:s7] =	ssyncadd.s32 $0xFFFFC000  }
0x243: {  	[spmem:s2] =	stream.indirect.scatter.add.f32 [tilespmem:s24], [sflag:$0x5], $0x80, s5, s31, $0xb8;
	[tilespmem:$0x1C780] =	vst v63  }
0x244: {  	_ =	swait.ge [sflag:s28], $0x4000  }
0x245: {  	[sflag:s28] =	ssyncset.done $0x0  }
0x246: {  	[sflag:s28] =	ssyncadd.s32 $0xFFFFC000  }
0x247: {  	[spmem:s3] =	stream.indirect.scatter.add.f32 [tilespmem:s9], [sflag:$0x5], $0x1, s5, s31, $0xb8;
	[tilespmem:$0x1C780] =	vst v63  }
0x248: {  	_ =	swait.ge [sflag:s28], $0x80  }
0x249: {  	[sflag:s28] =	ssyncset.done $0x0  }
0x24a: {  	s12 =	sadd.s32 $0x510, s13;
	[sflag:s28] =	ssyncadd.s32 $0xFFFFFF80  }
0x24b: {  	[tilespmem:s0], [sflag:$0x4] =	stream.linear.gather [hbm4b:s12+s4], $0x80, $0x38;
	[tilespmem:$0x1C780] =	vst v63  }
0x24c: {  	s21 =	sadd.s32 $0x510, s14  }
0x24d: {  	[tilespmem:s5], [sflag:$0x4] =	stream.linear.gather [hbm4b:s21+s4], $0x80, $0x38;
	[tilespmem:$0x1C780] =	vst v63  }
0x24e: {  	_ =	swait.ge [sflag:s8], $0x80  }
0x24f: {  	[sflag:s8] =	ssyncset.done $0x0  }
0x250: {  	[sflag:s8] =	ssyncadd.s32 $0xFFFFFF80  }
0x251: {  	_ =	swait.ge [sflag:s8], $0x80  }
0x252: {  	[sflag:s8] =	ssyncset.done $0x0  }
0x253: {  	s12 =	simm.s32 $0xFFFFFB40;
	[sflag:s8] =	ssyncadd.s32 $0xFFFFFF80  }
.LBB2_6:
0x254: {  	[tilespmem:s26], [sflag:$0x1] =	stream.indirect.gather [hbm4b:s6+s31], $0x80, s29, s31, $0xb8;
	[tilespmem:$0x1C780] =	vst v63  }
0x255: {  	s13 =	smov.u32 s12  }
0x256: {  	p1 =	sne.s32 s12, $0xFFFFFFE0;
	s12 =	sadd.s32 $0x20, s12;
	_ =	swait.ge [sflag:s11], $0x80  }
0x257: {  	[sflag:s11] =	ssyncset.done $0x0  }
0x258: {  	[sflag:s11] =	ssyncadd.s32 $0xFFFFFF80  }
0x259: {  	_ =	swait.ge [sflag:s11], $0x80  }
0x25a: {  	[sflag:s11] =	ssyncset.done $0x0  }
0x25b: {  	[sflag:s11] =	ssyncadd.s32 $0xFFFFFF80  }
0x25c: {  	[tilespmem:s24], [sflag:$0x2] =	stream.indirect.gather [hbm4b:s6+s31], $0x80, s0, s31, $0xb8;
	[tilespmem:$0x1C780] =	vst v63  }
0x25d: {  	_ =	swait.ge [sflag:s25], $0x4000  }
0x25e: {  	[sflag:s25] =	ssyncset.done $0x0  }
0x25f: {  	[sflag:s25] =	ssyncadd.s32 $0xFFFFC000  }
0x260: {  	[spmem:s2] =	stream.indirect.scatter.add.f32 [tilespmem:s26], [sflag:$0x5], $0x80, s30, s31, $0xb8;
	[tilespmem:$0x1C780] =	vst v63  }
0x261: {  	_ =	swait.ge [sflag:s28], $0x4000  }
0x262: {  	[sflag:s28] =	ssyncset.done $0x0  }
0x263: {  	[sflag:s28] =	ssyncadd.s32 $0xFFFFC000  }
0x264: {  	[spmem:s3] =	stream.indirect.scatter.add.f32 [tilespmem:s9], [sflag:$0x5], $0x1, s30, s31, $0xb8;
	[tilespmem:$0x1C780] =	vst v63  }
0x265: {  	_ =	swait.ge [sflag:s28], $0x80  }
0x266: {  	s21 =	sadd.s32 s13, s17;
	[sflag:s28] =	ssyncset.done $0x0  }
0x267: {  	s13 =	sadd.s32 s13, s16;
	s14 =	sadd.s32 $0x500, s21;
	[sflag:s28] =	ssyncadd.s32 $0xFFFFFF80  }
0x268: {  	[tilespmem:s29], [sflag:$0x3] =	stream.linear.gather [hbm4b:s14+s4], $0x80, $0x38;
	[tilespmem:$0x1C780] =	vst v63  }
0x269: {  	s14 =	sadd.s32 $0x500, s13  }
0x26a: {  	[tilespmem:s30], [sflag:$0x3] =	stream.linear.gather [hbm4b:s14+s4], $0x80, $0x38;
	[tilespmem:$0x1C780] =	vst v63  }
0x26b: {  	_ =	swait.ge [sflag:s7], $0x4000  }
0x26c: {  	[sflag:s7] =	ssyncset.done $0x0  }
0x26d: {  	[sflag:s7] =	ssyncadd.s32 $0xFFFFC000  }
0x26e: {  	[spmem:s2] =	stream.indirect.scatter.add.f32 [tilespmem:s24], [sflag:$0x5], $0x80, s5, s31, $0xb8;
	[tilespmem:$0x1C780] =	vst v63  }
0x26f: {  	_ =	swait.ge [sflag:s28], $0x4000  }
0x270: {  	[sflag:s28] =	ssyncset.done $0x0  }
0x271: {  	[sflag:s28] =	ssyncadd.s32 $0xFFFFC000  }
0x272: {  	[spmem:s3] =	stream.indirect.scatter.add.f32 [tilespmem:s9], [sflag:$0x5], $0x1, s5, s31, $0xb8;
	[tilespmem:$0x1C780] =	vst v63  }
0x273: {  	_ =	swait.ge [sflag:s28], $0x80  }
0x274: {  	[sflag:s28] =	ssyncset.done $0x0  }
0x275: {  	s14 =	sadd.s32 $0x510, s21;
	[sflag:s28] =	ssyncadd.s32 $0xFFFFFF80  }
0x276: {  	[tilespmem:s0], [sflag:$0x4] =	stream.linear.gather [hbm4b:s14+s4], $0x80, $0x38;
	[tilespmem:$0x1C780] =	vst v63  }
0x277: {  	s13 =	sadd.s32 $0x510, s13  }
0x278: {  	[tilespmem:s5], [sflag:$0x4] =	stream.linear.gather [hbm4b:s13+s4], $0x80, $0x38;
	[tilespmem:$0x1C780] =	vst v63  }
0x279: {  	_ =	swait.ge [sflag:s8], $0x80  }
.Ltmp5:
0x27a: {  	[sflag:s8] =	ssyncset.done $0x0;
	(pc) =	sbr.rel @p1 .LBB2_6-.Ltmp5, $4  }
0x27b: {  	[sflag:s8] =	ssyncadd.s32 $0xFFFFFF80  }
0x27c: {  	_ =	swait.ge [sflag:s8], $0x80  }
0x27d: {  	[sflag:s8] =	ssyncset.done $0x0  }
0x27e: {  	[sflag:s8] =	ssyncadd.s32 $0xFFFFFF80  }
.Ltmp6:
0x27f: {  	_ = 	snop;
	(pc) =	sbr.rel .LBB2_7-.Ltmp6, $1  }
0x280: {  	_ =	sdelay $0x3  }
.LBB2_9:
0x281: {  	_ =	sfence.sel $0x180000  }
0x282: {  	[bflag:$0x0] =	sbarrier.arrive $0xFFFF  }
0x283: {  	_ =	strace $0x90000047  }
0x284: {  	s0 =	stileid.u32;
	[bflag:$0x2] =	sbarrier.arrive $0xFFFF  }
0x285: {  	p0 =	sne.s32 s0, $0x0;
	s0 =	rddreg [dreg:$0x4]  }
0x286: {  	s0 =	sadd.s32 @!p0 $0x100000, s0  }
0x287: {  	[sflag:s0] =	ssyncadd.tile.s32 @!p0 $0x1;
	_ =	shalt  }
.Lfunc_end2:
_tile_overlayer_lowered:
.L_overlay_start_2:
0x288: {  	(tag) =	ssettag $0x2  }
0x289: {  	s0 =	rddreg [dreg:$0x0];
	s2 =	stileid.u32  }
0x28a: {  	s1 =	rddreg [dreg:$0x1];
	p0 =	sne.s32 s2, $0x0  }
0x28b: {  	s3 =	rddreg [dreg:$0x2];
	[bflag:$0x3] =	sbarrier.arrive $0xFFFF;
	s2 =	simm.s32 @!p0 $0x1C05  }
0x28c: {  	[timem:s3], [sflag:s2] =	dma.local @!p0 [hbm:s0], s1  }
0x28d: {  	s0 =	simm.s32 @!p0 $0x5  }
0x28e: {  	_ =	swait.ge @!p0 [sflag:s0], s1  }
0x28f: {  	s1 =	ssub.s32 @!p0 $0x0, s1;
	[sflag:s0] =	ssyncset.done @!p0 $0x0  }
0x290: {  	[sflag:s0] =	ssyncadd.s32 @!p0 s1  }
0x291: {  	[bflag:$0x3] =	sbarrier.arrive $0xFFFF  }
0x292: {  	_ =	shalt  }

</sc_bundles>
